<compile_context>
chip_gen: v7x
topology: tpu7x:2x2x1
jax: 0.10.2.dev20260603
libtpu: 0.0.44.dev20260713+nightly
codegen_flags: <defaults>
</compile_context>

<pallas_src>
import functools

import jax
import jax.numpy as jnp
from jax import lax
from jax.experimental import pallas as pl
from jax.experimental.pallas import tpu as pltpu
from jax.experimental.pallas import tpu_sc as plsc

N = 10000
E = 320000
D = 128

NW = 32
CPW = D // NW
NP = 10240
CHUNK = 6400
NCHUNK = E // CHUNK
GPC = CHUNK // 16
DEG_R = 384


def _sc_body(row_h, col_h, ew_h, featsT_h, accT_o, deg_o,
             ridx, cidx, wv, feats_l, acc_l, deg_l, fsem, csem):
    cid = lax.axis_index("c")
    sid = lax.axis_index("s")
    wid = cid * 16 + sid

    fslice = pl.ds(wid * CPW * NP, CPW * NP)
    pltpu.async_copy(featsT_h.at[fslice], feats_l, fsem)
    pltpu.async_copy(row_h.at[pl.ds(0, CHUNK)], ridx.at[0], csem.at[0])
    pltpu.async_copy(col_h.at[pl.ds(0, CHUNK)], cidx.at[0], csem.at[0])
    pltpu.async_copy(ew_h.at[pl.ds(0, CHUNK)], wv.at[0], csem.at[0])

    zero16 = jnp.zeros((16,), jnp.float32)

    @pl.loop(0, CPW * NP // 16)
    def _zero_acc(i):
        acc_l[pl.ds(i * 16, 16)] = zero16

    @pl.loop(0, DEG_R // 16)
    def _zero_deg(i):
        deg_l[pl.ds(i * 16, 16)] = zero16

    pltpu.make_async_copy(featsT_h.at[fslice], feats_l, fsem).wait()

    base_c = [jnp.full((16,), c * NP, jnp.int32) for c in range(CPW)]
    lo16 = jnp.full((16,), wid * DEG_R, jnp.int32)
    hi16 = jnp.full((16,), wid * DEG_R + DEG_R, jnp.int32)

    @pl.loop(0, NCHUNK)
    def _chunk(c):
        kb = c % 2
        kbn = 1 - kb

        @pl.when(c + 1 < NCHUNK)
        def _prefetch():
            nxt = pl.ds((c + 1) * CHUNK, CHUNK)
            pltpu.async_copy(row_h.at[nxt], ridx.at[kbn], csem.at[kbn])
            pltpu.async_copy(col_h.at[nxt], cidx.at[kbn], csem.at[kbn])
            pltpu.async_copy(ew_h.at[nxt], wv.at[kbn], csem.at[kbn])

        cur = pl.ds(c * CHUNK, CHUNK)
        pltpu.make_async_copy(row_h.at[cur], ridx.at[kb], csem.at[kb]).wait()
        pltpu.make_async_copy(col_h.at[cur], cidx.at[kb], csem.at[kb]).wait()
        pltpu.make_async_copy(ew_h.at[cur], wv.at[kb], csem.at[kb]).wait()

        @plsc.parallel_loop(0, GPC, unroll=4)
        def _group(g):
            sl = pl.ds(g * 16, 16)
            r16 = ridx[kb, sl]
            c16 = cidx[kb, sl]
            w16 = wv[kb, sl]
            for cc in range(CPW):
                v = plsc.load_gather(feats_l, [c16 + base_c[cc]])
                plsc.addupdate_scatter(acc_l, [r16 + base_c[cc]], v * w16)
            mask = (r16 >= lo16) & (r16 < hi16)
            plsc.addupdate_scatter(deg_l, [r16 - lo16], w16, mask=mask)

    pltpu.sync_copy(acc_l, accT_o.at[fslice])
    pltpu.sync_copy(deg_l, deg_o.at[pl.ds(wid * DEG_R, DEG_R)])


_sc_agg = functools.partial(
    pl.kernel,
    out_type=(jax.ShapeDtypeStruct((NW * CPW * NP,), jnp.float32),
              jax.ShapeDtypeStruct((NW * DEG_R,), jnp.float32)),
    mesh=plsc.VectorSubcoreMesh(core_axis_name="c", subcore_axis_name="s"),
    compiler_params=pltpu.CompilerParams(needs_layout_passes=False),
    scratch_types=[
        pltpu.VMEM((2, CHUNK), jnp.int32),
        pltpu.VMEM((2, CHUNK), jnp.int32),
        pltpu.VMEM((2, CHUNK), jnp.float32),
        pltpu.VMEM((CPW * NP,), jnp.float32),
        pltpu.VMEM((CPW * NP,), jnp.float32),
        pltpu.VMEM((DEG_R,), jnp.float32),
        pltpu.SemaphoreType.DMA,
        pltpu.SemaphoreType.DMA((2,)),
    ],
)(_sc_body)


BLK = 2048


def _tc_body(aT, dT, f, w, bb, o):
    agg = aT[...] * (1.0 / dT[...])
    h = lax.dot_general(agg, w[...], (((0,), (1,)), ((), ())),
                        preferred_element_type=jnp.float32)
    o[...] = f[...] + jnp.maximum(h + bb[...], 0.0)


def _tc_post(accT, deg, feats, W, b2):
    return pl.pallas_call(
        _tc_body,
        grid=(pl.cdiv(N, BLK),),
        in_specs=[
            pl.BlockSpec((D, BLK), lambda i: (0, i)),
            pl.BlockSpec((1, BLK), lambda i: (0, i)),
            pl.BlockSpec((BLK, D), lambda i: (i, 0)),
            pl.BlockSpec((D, D), lambda i: (0, 0)),
            pl.BlockSpec((1, D), lambda i: (0, 0)),
        ],
        out_specs=pl.BlockSpec((BLK, D), lambda i: (i, 0)),
        out_shape=jax.ShapeDtypeStruct((N, D), jnp.float32),
    )(accT, deg, feats, W, b2)


@jax.jit
def kernel(edge_index, edge_weight, feats, W, b):
    row = edge_index[0].astype(jnp.int32)
    col = edge_index[1].astype(jnp.int32)
    ew = edge_weight.astype(jnp.float32)
    featsT = jnp.pad(feats.T, ((0, 0), (0, NP - N))).reshape(-1)

    accT, deg = _sc_agg(row, col, ew, featsT)
    return _tc_post(accT.reshape(D, NP), deg[:NP].reshape(1, NP),
                    feats, W, b.reshape(1, D))

# --- scband reference (transcript-rebuilt; emitter-appended) ---
"""Pipeline reference for scband-graph-convolution-26620207300625 (READ-ONLY COPY).

The authoritative reference and input builder live on the scoring server;
editing this copy changes nothing except your own understanding.
"""

import jax, jax.numpy as jnp
import numpy as np

N_NODES = 10000
N_EDGES = 320000
D_IN = 128
D_OUT = 128


def setup_inputs(seed: int = 0) -> dict:
    key = jax.random.key(seed)
    k1, k2, k3, k4, k5 = jax.random.split(key, 5)
    # adjacency in COO form: row (destination of aggregation), col (source neighbor)
    row = jax.random.randint(k1, (N_EDGES,), 0, N_NODES)
    # guarantee every row has at least one entry (self-loop style) so degree > 0,
    # matching a well-formed normalized adjacency (avoids div-by-zero)
    row = row.at[:N_NODES].set(jnp.arange(N_NODES))
    col = jax.random.randint(k2, (N_EDGES,), 0, N_NODES)
    edge_index = jnp.stack([row, col], axis=0)
    # positive edge weights (sparse adjacency values)
    edge_weight = jax.random.uniform(k3, (N_EDGES,), minval=0.1, maxval=1.0)
    feats = jax.random.normal(k4, (N_NODES, D_IN), dtype=jnp.float32)
    # nn.Linear(input_dim, output_dim) with xavier_uniform_ weight
    limit = float(np.sqrt(6.0 / (D_IN + D_OUT)))
    W = jax.random.uniform(k5, (D_OUT, D_IN), minval=-limit, maxval=limit, dtype=jnp.float32)
    b = jnp.zeros((D_OUT,), dtype=jnp.float32)
    return {"edge_index": edge_index, "edge_weight": edge_weight, "feats": feats, "W": W, "b": b}


def reference(edge_index, edge_weight, feats, W, b):
    row = edge_index[0]
    col = edge_index[1]
    # torch.sparse.mm(adj, feats): gather source feats, scale by edge value, scatter-add to row
    gathered = jnp.take(feats, col, axis=0) * edge_weight[:, None]
    to_feats = jax.ops.segment_sum(gathered, row, num_segments=N_NODES)
    # torch.sparse.sum(adj, dim=1): per-row sum of adjacency values
    degree = jax.ops.segment_sum(edge_weight, row, num_segments=N_NODES).reshape(-1, 1)
    to_feats = to_feats / degree
    # self.linear (featureless=False)
    to_feats = to_feats @ W.T + b
    # act_func = relu
    to_feats = jax.nn.relu(to_feats)
    # residual=True and input_dim == output_dim -> direct residual add
    to_feats = feats + to_feats
    return to_feats

if __name__ == "__main__":
    import jax
    _d = setup_inputs()
    print(jax.jit(kernel)(*tuple(_d.values())))

</pallas_src>

<mosaic_0001>
#map = affine_map<(d0, d1) -> (0)>
module attributes {stable_mosaic.version = 14 : i64} {
  func.func @_sc_body(%arg0: i32, %arg1: i32, %arg2: memref<320000xi32, #tpu.memory_space<hbm>>, %arg3: memref<320000xi32, #tpu.memory_space<hbm>>, %arg4: memref<320000xf32, #tpu.memory_space<hbm>>, %arg5: memref<1310720xf32, #tpu.memory_space<hbm>>, %arg6: memref<1310720xf32, #tpu.memory_space<hbm>>, %arg7: memref<12288xf32, #tpu.memory_space<hbm>>, %arg8: memref<2x6400xi32, #tpu.memory_space<vmem>>, %arg9: memref<2x6400xi32, #tpu.memory_space<vmem>>, %arg10: memref<2x6400xf32, #tpu.memory_space<vmem>>, %arg11: memref<40960xf32, #tpu.memory_space<vmem>>, %arg12: memref<40960xf32, #tpu.memory_space<vmem>>, %arg13: memref<384xf32, #tpu.memory_space<vmem>>, %arg14: memref<!tpu.dma_semaphore, #tpu.memory_space<semaphore_mem>>, %arg15: memref<2x!tpu.dma_semaphore, #tpu.memory_space<semaphore_mem>>) attributes {dimension_semantics = [#tpu.dimension_semantics<core_parallel>, #tpu.dimension_semantics<subcore_parallel>], iteration_bounds = array<i64: 2, 16>, scalar_prefetch = 0 : i64, scratch_operands = 8 : i64, tpu.core_type = #tpu.core_type<sc_vector_subcore>, window_params = [{transform_indices = #map}, {transform_indices = #map}, {transform_indices = #map}, {transform_indices = #map}, {transform_indices = #map}, {transform_indices = #map}]} {
    %mul3A = arith.constant 16 : i32
    %mul3A_0 = arith.muli %arg0, %mul3A : i32
    %add3A = arith.addi %mul3A_0, %arg1 : i32
    %mul3A_1 = arith.constant 4 : i32
    %mul3A_2 = arith.muli %add3A, %mul3A_1 : i32
    %mul3A_3 = arith.constant 10240 : i32
    %mul3A_4 = arith.muli %mul3A_2, %mul3A_3 : i32
    %dma_start3A = tpu.memref_slice %arg5[%mul3A_4] : memref<1310720xf32, #tpu.memory_space<hbm>> -> memref<40960xf32, #tpu.memory_space<hbm>>
    %dma_start3A_5 = tpu.memref_slice %arg5[%mul3A_4] : memref<1310720xf32, #tpu.memory_space<hbm>> -> memref<40960xf32, #tpu.memory_space<hbm>>
    tpu.enqueue_dma source(%dma_start3A_5 : memref<40960xf32, #tpu.memory_space<hbm>>) target(%arg11 : memref<40960xf32, #tpu.memory_space<vmem>>) target_semaphore(%arg14 : memref<!tpu.dma_semaphore, #tpu.memory_space<semaphore_mem>>)
    %dma_start3A_6 = arith.constant 0 : i32
    %dma_start3A_7 = arith.constant 0 : i32
    %dma_start3A_8 = arith.constant 0 : i32
    %dma_start3A_9 = tpu.memref_slice %arg8[%dma_start3A_6, %dma_start3A_8] : memref<2x6400xi32, #tpu.memory_space<vmem>> -> memref<1x6400xi32, #tpu.memory_space<vmem>>
    %dma_start3A_10 = tpu.memref_squeeze %dma_start3A_9 : memref<1x6400xi32, #tpu.memory_space<vmem>> -> memref<6400xi32, #tpu.memory_space<vmem>>
    %dma_start3A_11 = arith.constant 0 : i32
    %dma_start3A_12 = tpu.memref_slice %arg2[%dma_start3A_11] : memref<320000xi32, #tpu.memory_space<hbm>> -> memref<6400xi32, #tpu.memory_space<hbm>>
    %dma_start3A_13 = tpu.memref_slice %arg15[%dma_start3A_7] : memref<2x!tpu.dma_semaphore, #tpu.memory_space<semaphore_mem>> -> memref<1x!tpu.dma_semaphore, #tpu.memory_space<semaphore_mem>>
    %dma_start3A_14 = tpu.memref_squeeze %dma_start3A_13 : memref<1x!tpu.dma_semaphore, #tpu.memory_space<semaphore_mem>> -> memref<!tpu.dma_semaphore, #tpu.memory_space<semaphore_mem>>
    %dma_start3A_15 = arith.constant 0 : i32
    %dma_start3A_16 = tpu.memref_slice %arg8[%dma_start3A_6, %dma_start3A_15] : memref<2x6400xi32, #tpu.memory_space<vmem>> -> memref<1x6400xi32, #tpu.memory_space<vmem>>
    %dma_start3A_17 = tpu.memref_squeeze %dma_start3A_16 : memref<1x6400xi32, #tpu.memory_space<vmem>> -> memref<6400xi32, #tpu.memory_space<vmem>>
    %dma_start3A_18 = arith.constant 0 : i32
    %dma_start3A_19 = tpu.memref_slice %arg2[%dma_start3A_18] : memref<320000xi32, #tpu.memory_space<hbm>> -> memref<6400xi32, #tpu.memory_space<hbm>>
    tpu.enqueue_dma source(%dma_start3A_19 : memref<6400xi32, #tpu.memory_space<hbm>>) target(%dma_start3A_17 : memref<6400xi32, #tpu.memory_space<vmem>>) target_semaphore(%dma_start3A_14 : memref<!tpu.dma_semaphore, #tpu.memory_space<semaphore_mem>>)
    %dma_start3A_20 = arith.constant 0 : i32
    %dma_start3A_21 = arith.constant 0 : i32
    %dma_start3A_22 = arith.constant 0 : i32
    %dma_start3A_23 = tpu.memref_slice %arg9[%dma_start3A_20, %dma_start3A_22] : memref<2x6400xi32, #tpu.memory_space<vmem>> -> memref<1x6400xi32, #tpu.memory_space<vmem>>
    %dma_start3A_24 = tpu.memref_squeeze %dma_start3A_23 : memref<1x6400xi32, #tpu.memory_space<vmem>> -> memref<6400xi32, #tpu.memory_space<vmem>>
    %dma_start3A_25 = arith.constant 0 : i32
    %dma_start3A_26 = tpu.memref_slice %arg3[%dma_start3A_25] : memref<320000xi32, #tpu.memory_space<hbm>> -> memref<6400xi32, #tpu.memory_space<hbm>>
    %dma_start3A_27 = tpu.memref_slice %arg15[%dma_start3A_21] : memref<2x!tpu.dma_semaphore, #tpu.memory_space<semaphore_mem>> -> memref<1x!tpu.dma_semaphore, #tpu.memory_space<semaphore_mem>>
    %dma_start3A_28 = tpu.memref_squeeze %dma_start3A_27 : memref<1x!tpu.dma_semaphore, #tpu.memory_space<semaphore_mem>> -> memref<!tpu.dma_semaphore, #tpu.memory_space<semaphore_mem>>
    %dma_start3A_29 = arith.constant 0 : i32
    %dma_start3A_30 = tpu.memref_slice %arg9[%dma_start3A_20, %dma_start3A_29] : memref<2x6400xi32, #tpu.memory_space<vmem>> -> memref<1x6400xi32, #tpu.memory_space<vmem>>
    %dma_start3A_31 = tpu.memref_squeeze %dma_start3A_30 : memref<1x6400xi32, #tpu.memory_space<vmem>> -> memref<6400xi32, #tpu.memory_space<vmem>>
    %dma_start3A_32 = arith.constant 0 : i32
    %dma_start3A_33 = tpu.memref_slice %arg3[%dma_start3A_32] : memref<320000xi32, #tpu.memory_space<hbm>> -> memref<6400xi32, #tpu.memory_space<hbm>>
    tpu.enqueue_dma source(%dma_start3A_33 : memref<6400xi32, #tpu.memory_space<hbm>>) target(%dma_start3A_31 : memref<6400xi32, #tpu.memory_space<vmem>>) target_semaphore(%dma_start3A_28 : memref<!tpu.dma_semaphore, #tpu.memory_space<semaphore_mem>>)
    %dma_start3A_34 = arith.constant 0 : i32
    %dma_start3A_35 = arith.constant 0 : i32
    %dma_start3A_36 = arith.constant 0 : i32
    %dma_start3A_37 = tpu.memref_slice %arg10[%dma_start3A_34, %dma_start3A_36] : memref<2x6400xf32, #tpu.memory_space<vmem>> -> memref<1x6400xf32, #tpu.memory_space<vmem>>
    %dma_start3A_38 = tpu.memref_squeeze %dma_start3A_37 : memref<1x6400xf32, #tpu.memory_space<vmem>> -> memref<6400xf32, #tpu.memory_space<vmem>>
    %dma_start3A_39 = arith.constant 0 : i32
    %dma_start3A_40 = tpu.memref_slice %arg4[%dma_start3A_39] : memref<320000xf32, #tpu.memory_space<hbm>> -> memref<6400xf32, #tpu.memory_space<hbm>>
    %dma_start3A_41 = tpu.memref_slice %arg15[%dma_start3A_35] : memref<2x!tpu.dma_semaphore, #tpu.memory_space<semaphore_mem>> -> memref<1x!tpu.dma_semaphore, #tpu.memory_space<semaphore_mem>>
    %dma_start3A_42 = tpu.memref_squeeze %dma_start3A_41 : memref<1x!tpu.dma_semaphore, #tpu.memory_space<semaphore_mem>> -> memref<!tpu.dma_semaphore, #tpu.memory_space<semaphore_mem>>
    %dma_start3A_43 = arith.constant 0 : i32
    %dma_start3A_44 = tpu.memref_slice %arg10[%dma_start3A_34, %dma_start3A_43] : memref<2x6400xf32, #tpu.memory_space<vmem>> -> memref<1x6400xf32, #tpu.memory_space<vmem>>
    %dma_start3A_45 = tpu.memref_squeeze %dma_start3A_44 : memref<1x6400xf32, #tpu.memory_space<vmem>> -> memref<6400xf32, #tpu.memory_space<vmem>>
    %dma_start3A_46 = arith.constant 0 : i32
    %dma_start3A_47 = tpu.memref_slice %arg4[%dma_start3A_46] : memref<320000xf32, #tpu.memory_space<hbm>> -> memref<6400xf32, #tpu.memory_space<hbm>>
    tpu.enqueue_dma source(%dma_start3A_47 : memref<6400xf32, #tpu.memory_space<hbm>>) target(%dma_start3A_45 : memref<6400xf32, #tpu.memory_space<vmem>>) target_semaphore(%dma_start3A_42 : memref<!tpu.dma_semaphore, #tpu.memory_space<semaphore_mem>>)
    %broadcast_in_dim3A = arith.constant 0.000000e+00 : f32
    %broadcast_in_dim3A_48 = vector.broadcast %broadcast_in_dim3A : f32 to vector<16xf32>
    %scan3A = arith.constant 0 : i32
    %scan3A_49 = arith.constant 2560 : i32
    %scan3A_50 = arith.addi %scan3A, %scan3A_49 : i32
    %scan3A_51 = arith.constant 1 : i32
    scf.for %scan3A_82 = %scan3A to %scan3A_50 step %scan3A_51  : i32 {
      %mul3A_83 = arith.constant 1 : i32
      %mul3A_84 = arith.muli %scan3A_82, %mul3A_83 : i32
      %add3A_85 = arith.constant 0 : i32
      %add3A_86 = arith.addi %add3A_85, %mul3A_84 : i32
      %mul3A_87 = arith.constant 16 : i32
      %mul3A_88 = arith.muli %add3A_86, %mul3A_87 : i32
      %swap3A = arith.index_cast %mul3A_88 : i32 to index
      %swap3A_89 = tpu.vector_load %arg12[%swap3A] {strides = array<i32>} : memref<40960xf32, #tpu.memory_space<vmem>>, vector<16xf32>,
      tpu.vector_store %arg12[%swap3A], %broadcast_in_dim3A_48 {strides = array<i32>} : memref<40960xf32, #tpu.memory_space<vmem>>, vector<16xf32>,
    }
    %scan3A_52 = arith.constant 2560 : i32
    %scan3A_53 = arith.constant 0 : i32
    %scan3A_54 = arith.constant 24 : i32
    %scan3A_55 = arith.addi %scan3A_53, %scan3A_54 : i32
    %scan3A_56 = arith.constant 1 : i32
    scf.for %scan3A_82 = %scan3A_53 to %scan3A_55 step %scan3A_56  : i32 {
      %mul3A_83 = arith.constant 1 : i32
      %mul3A_84 = arith.muli %scan3A_82, %mul3A_83 : i32
      %add3A_85 = arith.constant 0 : i32
      %add3A_86 = arith.addi %add3A_85, %mul3A_84 : i32
      %mul3A_87 = arith.constant 16 : i32
      %mul3A_88 = arith.muli %add3A_86, %mul3A_87 : i32
      %swap3A = arith.index_cast %mul3A_88 : i32 to index
      %swap3A_89 = tpu.vector_load %arg13[%swap3A] {strides = array<i32>} : memref<384xf32, #tpu.memory_space<vmem>>, vector<16xf32>,
      tpu.vector_store %arg13[%swap3A], %broadcast_in_dim3A_48 {strides = array<i32>} : memref<384xf32, #tpu.memory_space<vmem>>, vector<16xf32>,
    }
    %scan3A_57 = arith.constant 24 : i32
    %dma_wait3A = tpu.memref_slice %arg5[%mul3A_4] : memref<1310720xf32, #tpu.memory_space<hbm>> -> memref<40960xf32, #tpu.memory_space<hbm>>
    %dma_wait3A_58 = tpu.memref_slice %arg5[%mul3A_4] : memref<1310720xf32, #tpu.memory_space<hbm>> -> memref<40960xf32, #tpu.memory_space<hbm>>
    tpu.wait_dma2 semaphore(%arg14 : memref<!tpu.dma_semaphore, #tpu.memory_space<semaphore_mem>>) src(%dma_wait3A_58 : memref<40960xf32, #tpu.memory_space<hbm>>) dst(%arg11 : memref<40960xf32, #tpu.memory_space<vmem>>)
    %broadcast_in_dim3A_59 = arith.constant 0 : i32
    %broadcast_in_dim3A_60 = vector.broadcast %broadcast_in_dim3A_59 : i32 to vector<16xi32>
    %broadcast_in_dim3A_61 = arith.constant 10240 : i32
    %broadcast_in_dim3A_62 = vector.broadcast %broadcast_in_dim3A_61 : i32 to vector<16xi32>
    %broadcast_in_dim3A_63 = arith.constant 20480 : i32
    %broadcast_in_dim3A_64 = vector.broadcast %broadcast_in_dim3A_63 : i32 to vector<16xi32>
    %broadcast_in_dim3A_65 = arith.constant 30720 : i32
    %broadcast_in_dim3A_66 = vector.broadcast %broadcast_in_dim3A_65 : i32 to vector<16xi32>
    %mul3A_67 = arith.constant 384 : i32
    %mul3A_68 = arith.muli %add3A, %mul3A_67 : i32
    %broadcast_in_dim3A_69 = vector.broadcast %mul3A_68 : i32 to vector<16xi32>
    %mul3A_70 = arith.constant 384 : i32
    %mul3A_71 = arith.muli %add3A, %mul3A_70 : i32
    %add3A_72 = arith.constant 384 : i32
    %add3A_73 = arith.addi %mul3A_71, %add3A_72 : i32
    %broadcast_in_dim3A_74 = vector.broadcast %add3A_73 : i32 to vector<16xi32>
    %scan3A_75 = arith.constant 0 : i32
    %scan3A_76 = arith.constant 50 : i32
    %scan3A_77 = arith.addi %scan3A_75, %scan3A_76 : i32
    %scan3A_78 = arith.constant 1 : i32
    scf.for %scan3A_82 = %scan3A_75 to %scan3A_77 step %scan3A_78  : i32 {
      %mul3A_83 = arith.constant 1 : i32
      %mul3A_84 = arith.muli %scan3A_82, %mul3A_83 : i32
      %add3A_85 = arith.constant 0 : i32
      %add3A_86 = arith.addi %add3A_85, %mul3A_84 : i32
      %jit3A = arith.constant 2 : i32
      %eq3A = arith.constant 0 : i32
      %eq3A_87 = arith.cmpi eq, %jit3A, %eq3A : i32
      %jit3A_88 = arith.constant 1 : i32
      %select_n3A = arith.select %eq3A_87, %jit3A_88, %jit3A : i32
      %rem3A = arith.remsi %add3A_86, %select_n3A : i32
      %ne3A = arith.constant 0 : i32
      %ne3A_89 = arith.cmpi ne, %rem3A, %ne3A : i32
      %lt3A = arith.constant 0 : i32
      %lt3A_90 = arith.cmpi slt, %rem3A, %lt3A : i32
      %lt3A_91 = arith.constant 0 : i32
      %lt3A_92 = arith.cmpi slt, %select_n3A, %lt3A_91 : i32
      %ne3A_93 = arith.xori %lt3A_90, %lt3A_92 : i1
      %and3A = arith.andi %ne3A_93, %ne3A_89 : i1
      %add3A_94 = arith.addi %rem3A, %select_n3A : i32
      %select_n3A_95 = arith.select %and3A, %add3A_94, %rem3A : i32
      %sub3A = arith.constant 1 : i32
      %sub3A_96 = arith.subi %sub3A, %select_n3A_95 : i32
      %add3A_97 = arith.constant 1 : i32
      %add3A_98 = arith.addi %add3A_86, %add3A_97 : i32
      %lt3A_99 = arith.constant 50 : i32
      %lt3A_100 = arith.cmpi slt, %add3A_98, %lt3A_99 : i32
      %convert_element_type3A = arith.extui %lt3A_100 : i1 to i32
      %cond3A = arith.constant 0 : i32
      %cond3A_101 = arith.cmpi ne, %convert_element_type3A, %cond3A : i32
      scf.if %cond3A_101 {
        %add3A_136 = arith.constant 1 : i32
        %add3A_137 = arith.addi %add3A_86, %add3A_136 : i32
        %mul3A_138 = arith.constant 6400 : i32
        %mul3A_139 = arith.muli %add3A_137, %mul3A_138 : i32
        %dma_start3A_140 = arith.constant 0 : i32
        %dma_start3A_141 = tpu.memref_slice %arg8[%sub3A_96, %dma_start3A_140] : memref<2x6400xi32, #tpu.memory_space<vmem>> -> memref<1x6400xi32, #tpu.memory_space<vmem>>
        %dma_start3A_142 = tpu.memref_squeeze %dma_start3A_141 : memref<1x6400xi32, #tpu.memory_space<vmem>> -> memref<6400xi32, #tpu.memory_space<vmem>>
        %dma_start3A_143 = tpu.memref_slice %arg2[%mul3A_139] : memref<320000xi32, #tpu.memory_space<hbm>> -> memref<6400xi32, #tpu.memory_space<hbm>>
        %dma_start3A_144 = tpu.memref_slice %arg15[%sub3A_96] : memref<2x!tpu.dma_semaphore, #tpu.memory_space<semaphore_mem>> -> memref<1x!tpu.dma_semaphore, #tpu.memory_space<semaphore_mem>>
        %dma_start3A_145 = tpu.memref_squeeze %dma_start3A_144 : memref<1x!tpu.dma_semaphore, #tpu.memory_space<semaphore_mem>> -> memref<!tpu.dma_semaphore, #tpu.memory_space<semaphore_mem>>
        %dma_start3A_146 = arith.constant 0 : i32
        %dma_start3A_147 = tpu.memref_slice %arg8[%sub3A_96, %dma_start3A_146] : memref<2x6400xi32, #tpu.memory_space<vmem>> -> memref<1x6400xi32, #tpu.memory_space<vmem>>
        %dma_start3A_148 = tpu.memref_squeeze %dma_start3A_147 : memref<1x6400xi32, #tpu.memory_space<vmem>> -> memref<6400xi32, #tpu.memory_space<vmem>>
        %dma_start3A_149 = tpu.memref_slice %arg2[%mul3A_139] : memref<320000xi32, #tpu.memory_space<hbm>> -> memref<6400xi32, #tpu.memory_space<hbm>>
        tpu.enqueue_dma source(%dma_start3A_149 : memref<6400xi32, #tpu.memory_space<hbm>>) target(%dma_start3A_148 : memref<6400xi32, #tpu.memory_space<vmem>>) target_semaphore(%dma_start3A_145 : memref<!tpu.dma_semaphore, #tpu.memory_space<semaphore_mem>>)
        %dma_start3A_150 = arith.constant 0 : i32
        %dma_start3A_151 = tpu.memref_slice %arg9[%sub3A_96, %dma_start3A_150] : memref<2x6400xi32, #tpu.memory_space<vmem>> -> memref<1x6400xi32, #tpu.memory_space<vmem>>
        %dma_start3A_152 = tpu.memref_squeeze %dma_start3A_151 : memref<1x6400xi32, #tpu.memory_space<vmem>> -> memref<6400xi32, #tpu.memory_space<vmem>>
        %dma_start3A_153 = tpu.memref_slice %arg3[%mul3A_139] : memref<320000xi32, #tpu.memory_space<hbm>> -> memref<6400xi32, #tpu.memory_space<hbm>>
        %dma_start3A_154 = tpu.memref_slice %arg15[%sub3A_96] : memref<2x!tpu.dma_semaphore, #tpu.memory_space<semaphore_mem>> -> memref<1x!tpu.dma_semaphore, #tpu.memory_space<semaphore_mem>>
        %dma_start3A_155 = tpu.memref_squeeze %dma_start3A_154 : memref<1x!tpu.dma_semaphore, #tpu.memory_space<semaphore_mem>> -> memref<!tpu.dma_semaphore, #tpu.memory_space<semaphore_mem>>
        %dma_start3A_156 = arith.constant 0 : i32
        %dma_start3A_157 = tpu.memref_slice %arg9[%sub3A_96, %dma_start3A_156] : memref<2x6400xi32, #tpu.memory_space<vmem>> -> memref<1x6400xi32, #tpu.memory_space<vmem>>
        %dma_start3A_158 = tpu.memref_squeeze %dma_start3A_157 : memref<1x6400xi32, #tpu.memory_space<vmem>> -> memref<6400xi32, #tpu.memory_space<vmem>>
        %dma_start3A_159 = tpu.memref_slice %arg3[%mul3A_139] : memref<320000xi32, #tpu.memory_space<hbm>> -> memref<6400xi32, #tpu.memory_space<hbm>>
        tpu.enqueue_dma source(%dma_start3A_159 : memref<6400xi32, #tpu.memory_space<hbm>>) target(%dma_start3A_158 : memref<6400xi32, #tpu.memory_space<vmem>>) target_semaphore(%dma_start3A_155 : memref<!tpu.dma_semaphore, #tpu.memory_space<semaphore_mem>>)
        %dma_start3A_160 = arith.constant 0 : i32
        %dma_start3A_161 = tpu.memref_slice %arg10[%sub3A_96, %dma_start3A_160] : memref<2x6400xf32, #tpu.memory_space<vmem>> -> memref<1x6400xf32, #tpu.memory_space<vmem>>
        %dma_start3A_162 = tpu.memref_squeeze %dma_start3A_161 : memref<1x6400xf32, #tpu.memory_space<vmem>> -> memref<6400xf32, #tpu.memory_space<vmem>>
        %dma_start3A_163 = tpu.memref_slice %arg4[%mul3A_139] : memref<320000xf32, #tpu.memory_space<hbm>> -> memref<6400xf32, #tpu.memory_space<hbm>>
        %dma_start3A_164 = tpu.memref_slice %arg15[%sub3A_96] : memref<2x!tpu.dma_semaphore, #tpu.memory_space<semaphore_mem>> -> memref<1x!tpu.dma_semaphore, #tpu.memory_space<semaphore_mem>>
        %dma_start3A_165 = tpu.memref_squeeze %dma_start3A_164 : memref<1x!tpu.dma_semaphore, #tpu.memory_space<semaphore_mem>> -> memref<!tpu.dma_semaphore, #tpu.memory_space<semaphore_mem>>
        %dma_start3A_166 = arith.constant 0 : i32
        %dma_start3A_167 = tpu.memref_slice %arg10[%sub3A_96, %dma_start3A_166] : memref<2x6400xf32, #tpu.memory_space<vmem>> -> memref<1x6400xf32, #tpu.memory_space<vmem>>
        %dma_start3A_168 = tpu.memref_squeeze %dma_start3A_167 : memref<1x6400xf32, #tpu.memory_space<vmem>> -> memref<6400xf32, #tpu.memory_space<vmem>>
        %dma_start3A_169 = tpu.memref_slice %arg4[%mul3A_139] : memref<320000xf32, #tpu.memory_space<hbm>> -> memref<6400xf32, #tpu.memory_space<hbm>>
        tpu.enqueue_dma source(%dma_start3A_169 : memref<6400xf32, #tpu.memory_space<hbm>>) target(%dma_start3A_168 : memref<6400xf32, #tpu.memory_space<vmem>>) target_semaphore(%dma_start3A_165 : memref<!tpu.dma_semaphore, #tpu.memory_space<semaphore_mem>>)
      } else {
      }
      %mul3A_102 = arith.constant 6400 : i32
      %mul3A_103 = arith.muli %add3A_86, %mul3A_102 : i32
      %dma_wait3A_104 = arith.constant 0 : i32
      %dma_wait3A_105 = tpu.memref_slice %arg8[%select_n3A_95, %dma_wait3A_104] : memref<2x6400xi32, #tpu.memory_space<vmem>> -> memref<1x6400xi32, #tpu.memory_space<vmem>>
      %dma_wait3A_106 = tpu.memref_squeeze %dma_wait3A_105 : memref<1x6400xi32, #tpu.memory_space<vmem>> -> memref<6400xi32, #tpu.memory_space<vmem>>
      %dma_wait3A_107 = tpu.memref_slice %arg2[%mul3A_103] : memref<320000xi32, #tpu.memory_space<hbm>> -> memref<6400xi32, #tpu.memory_space<hbm>>
      %dma_wait3A_108 = tpu.memref_slice %arg15[%select_n3A_95] : memref<2x!tpu.dma_semaphore, #tpu.memory_space<semaphore_mem>> -> memref<1x!tpu.dma_semaphore, #tpu.memory_space<semaphore_mem>>
      %dma_wait3A_109 = tpu.memref_squeeze %dma_wait3A_108 : memref<1x!tpu.dma_semaphore, #tpu.memory_space<semaphore_mem>> -> memref<!tpu.dma_semaphore, #tpu.memory_space<semaphore_mem>>
      %dma_wait3A_110 = arith.constant 0 : i32
      %dma_wait3A_111 = tpu.memref_slice %arg8[%select_n3A_95, %dma_wait3A_110] : memref<2x6400xi32, #tpu.memory_space<vmem>> -> memref<1x6400xi32, #tpu.memory_space<vmem>>
      %dma_wait3A_112 = tpu.memref_squeeze %dma_wait3A_111 : memref<1x6400xi32, #tpu.memory_space<vmem>> -> memref<6400xi32, #tpu.memory_space<vmem>>
      %dma_wait3A_113 = tpu.memref_slice %arg2[%mul3A_103] : memref<320000xi32, #tpu.memory_space<hbm>> -> memref<6400xi32, #tpu.memory_space<hbm>>
      tpu.wait_dma2 semaphore(%dma_wait3A_109 : memref<!tpu.dma_semaphore, #tpu.memory_space<semaphore_mem>>) src(%dma_wait3A_113 : memref<6400xi32, #tpu.memory_space<hbm>>) dst(%dma_wait3A_112 : memref<6400xi32, #tpu.memory_space<vmem>>)
      %dma_wait3A_114 = arith.constant 0 : i32
      %dma_wait3A_115 = tpu.memref_slice %arg9[%select_n3A_95, %dma_wait3A_114] : memref<2x6400xi32, #tpu.memory_space<vmem>> -> memref<1x6400xi32, #tpu.memory_space<vmem>>
      %dma_wait3A_116 = tpu.memref_squeeze %dma_wait3A_115 : memref<1x6400xi32, #tpu.memory_space<vmem>> -> memref<6400xi32, #tpu.memory_space<vmem>>
      %dma_wait3A_117 = tpu.memref_slice %arg3[%mul3A_103] : memref<320000xi32, #tpu.memory_space<hbm>> -> memref<6400xi32, #tpu.memory_space<hbm>>
      %dma_wait3A_118 = tpu.memref_slice %arg15[%select_n3A_95] : memref<2x!tpu.dma_semaphore, #tpu.memory_space<semaphore_mem>> -> memref<1x!tpu.dma_semaphore, #tpu.memory_space<semaphore_mem>>
      %dma_wait3A_119 = tpu.memref_squeeze %dma_wait3A_118 : memref<1x!tpu.dma_semaphore, #tpu.memory_space<semaphore_mem>> -> memref<!tpu.dma_semaphore, #tpu.memory_space<semaphore_mem>>
      %dma_wait3A_120 = arith.constant 0 : i32
      %dma_wait3A_121 = tpu.memref_slice %arg9[%select_n3A_95, %dma_wait3A_120] : memref<2x6400xi32, #tpu.memory_space<vmem>> -> memref<1x6400xi32, #tpu.memory_space<vmem>>
      %dma_wait3A_122 = tpu.memref_squeeze %dma_wait3A_121 : memref<1x6400xi32, #tpu.memory_space<vmem>> -> memref<6400xi32, #tpu.memory_space<vmem>>
      %dma_wait3A_123 = tpu.memref_slice %arg3[%mul3A_103] : memref<320000xi32, #tpu.memory_space<hbm>> -> memref<6400xi32, #tpu.memory_space<hbm>>
      tpu.wait_dma2 semaphore(%dma_wait3A_119 : memref<!tpu.dma_semaphore, #tpu.memory_space<semaphore_mem>>) src(%dma_wait3A_123 : memref<6400xi32, #tpu.memory_space<hbm>>) dst(%dma_wait3A_122 : memref<6400xi32, #tpu.memory_space<vmem>>)
      %dma_wait3A_124 = arith.constant 0 : i32
      %dma_wait3A_125 = tpu.memref_slice %arg10[%select_n3A_95, %dma_wait3A_124] : memref<2x6400xf32, #tpu.memory_space<vmem>> -> memref<1x6400xf32, #tpu.memory_space<vmem>>
      %dma_wait3A_126 = tpu.memref_squeeze %dma_wait3A_125 : memref<1x6400xf32, #tpu.memory_space<vmem>> -> memref<6400xf32, #tpu.memory_space<vmem>>
      %dma_wait3A_127 = tpu.memref_slice %arg4[%mul3A_103] : memref<320000xf32, #tpu.memory_space<hbm>> -> memref<6400xf32, #tpu.memory_space<hbm>>
      %dma_wait3A_128 = tpu.memref_slice %arg15[%select_n3A_95] : memref<2x!tpu.dma_semaphore, #tpu.memory_space<semaphore_mem>> -> memref<1x!tpu.dma_semaphore, #tpu.memory_space<semaphore_mem>>
      %dma_wait3A_129 = tpu.memref_squeeze %dma_wait3A_128 : memref<1x!tpu.dma_semaphore, #tpu.memory_space<semaphore_mem>> -> memref<!tpu.dma_semaphore, #tpu.memory_space<semaphore_mem>>
      %dma_wait3A_130 = arith.constant 0 : i32
      %dma_wait3A_131 = tpu.memref_slice %arg10[%select_n3A_95, %dma_wait3A_130] : memref<2x6400xf32, #tpu.memory_space<vmem>> -> memref<1x6400xf32, #tpu.memory_space<vmem>>
      %dma_wait3A_132 = tpu.memref_squeeze %dma_wait3A_131 : memref<1x6400xf32, #tpu.memory_space<vmem>> -> memref<6400xf32, #tpu.memory_space<vmem>>
      %dma_wait3A_133 = tpu.memref_slice %arg4[%mul3A_103] : memref<320000xf32, #tpu.memory_space<hbm>> -> memref<6400xf32, #tpu.memory_space<hbm>>
      tpu.wait_dma2 semaphore(%dma_wait3A_129 : memref<!tpu.dma_semaphore, #tpu.memory_space<semaphore_mem>>) src(%dma_wait3A_133 : memref<6400xf32, #tpu.memory_space<hbm>>) dst(%dma_wait3A_132 : memref<6400xf32, #tpu.memory_space<vmem>>)
      %parallel_loop3A = arith.constant 0 : i32
      %parallel_loop3A_134 = arith.constant 400 : i32
      %parallel_loop3A_135 = arith.constant 1 : i32
      scf.for %parallel_loop3A_136 = %parallel_loop3A to %parallel_loop3A_134 step %parallel_loop3A_135  : i32 {
        %parallel_loop3A_137 = arith.constant 16 : i32
        %parallel_loop3A_138 = arith.muli %parallel_loop3A_136, %parallel_loop3A_137 : i32
        %parallel_loop3A_139 = arith.index_cast %select_n3A_95 : i32 to index
        %parallel_loop3A_140 = arith.index_cast %parallel_loop3A_138 : i32 to index
        %parallel_loop3A_141 = tpu.vector_load %arg8[%parallel_loop3A_139, %parallel_loop3A_140] {strides = array<i32>} : memref<2x6400xi32, #tpu.memory_space<vmem>>, vector<16xi32>,
        %parallel_loop3A_142 = arith.index_cast %select_n3A_95 : i32 to index
        %parallel_loop3A_143 = arith.index_cast %parallel_loop3A_138 : i32 to index
        %parallel_loop3A_144 = tpu.vector_load %arg9[%parallel_loop3A_142, %parallel_loop3A_143] {strides = array<i32>} : memref<2x6400xi32, #tpu.memory_space<vmem>>, vector<16xi32>,
        %parallel_loop3A_145 = arith.index_cast %select_n3A_95 : i32 to index
        %parallel_loop3A_146 = arith.index_cast %parallel_loop3A_138 : i32 to index
        %parallel_loop3A_147 = tpu.vector_load %arg10[%parallel_loop3A_145, %parallel_loop3A_146] {strides = array<i32>} : memref<2x6400xf32, #tpu.memory_space<vmem>>, vector<16xf32>,
        %parallel_loop3A_148 = arith.addi %parallel_loop3A_144, %broadcast_in_dim3A_60 : vector<16xi32>
        %parallel_loop3A_149 = tpu.vector_load_idx %arg11[%parallel_loop3A_148] : memref<40960xf32, #tpu.memory_space<vmem>>[vector<16xi32>], vector<16xf32>,
        %parallel_loop3A_150 = arith.addi %parallel_loop3A_141, %broadcast_in_dim3A_60 : vector<16xi32>
        %parallel_loop3A_151 = arith.mulf %parallel_loop3A_149, %parallel_loop3A_147 : vector<16xf32>
        tpu.vector_store_idx %arg12[%parallel_loop3A_150], %parallel_loop3A_151 {add = true} : memref<40960xf32, #tpu.memory_space<vmem>>[vector<16xi32>], vector<16xf32>,
        %parallel_loop3A_152 = arith.addi %parallel_loop3A_144, %broadcast_in_dim3A_62 : vector<16xi32>
        %parallel_loop3A_153 = tpu.vector_load_idx %arg11[%parallel_loop3A_152] : memref<40960xf32, #tpu.memory_space<vmem>>[vector<16xi32>], vector<16xf32>,
        %parallel_loop3A_154 = arith.addi %parallel_loop3A_141, %broadcast_in_dim3A_62 : vector<16xi32>
        %parallel_loop3A_155 = arith.mulf %parallel_loop3A_153, %parallel_loop3A_147 : vector<16xf32>
        tpu.vector_store_idx %arg12[%parallel_loop3A_154], %parallel_loop3A_155 {add = true} : memref<40960xf32, #tpu.memory_space<vmem>>[vector<16xi32>], vector<16xf32>,
        %parallel_loop3A_156 = arith.addi %parallel_loop3A_144, %broadcast_in_dim3A_64 : vector<16xi32>
        %parallel_loop3A_157 = tpu.vector_load_idx %arg11[%parallel_loop3A_156] : memref<40960xf32, #tpu.memory_space<vmem>>[vector<16xi32>], vector<16xf32>,
        %parallel_loop3A_158 = arith.addi %parallel_loop3A_141, %broadcast_in_dim3A_64 : vector<16xi32>
        %parallel_loop3A_159 = arith.mulf %parallel_loop3A_157, %parallel_loop3A_147 : vector<16xf32>
        tpu.vector_store_idx %arg12[%parallel_loop3A_158], %parallel_loop3A_159 {add = true} : memref<40960xf32, #tpu.memory_space<vmem>>[vector<16xi32>], vector<16xf32>,
        %parallel_loop3A_160 = arith.addi %parallel_loop3A_144, %broadcast_in_dim3A_66 : vector<16xi32>
        %parallel_loop3A_161 = tpu.vector_load_idx %arg11[%parallel_loop3A_160] : memref<40960xf32, #tpu.memory_space<vmem>>[vector<16xi32>], vector<16xf32>,
        %parallel_loop3A_162 = arith.addi %parallel_loop3A_141, %broadcast_in_dim3A_66 : vector<16xi32>
        %parallel_loop3A_163 = arith.mulf %parallel_loop3A_161, %parallel_loop3A_147 : vector<16xf32>
        tpu.vector_store_idx %arg12[%parallel_loop3A_162], %parallel_loop3A_163 {add = true} : memref<40960xf32, #tpu.memory_space<vmem>>[vector<16xi32>], vector<16xf32>,
        %parallel_loop3A_164 = arith.cmpi sge, %parallel_loop3A_141, %broadcast_in_dim3A_69 : vector<16xi32>
        %parallel_loop3A_165 = arith.cmpi slt, %parallel_loop3A_141, %broadcast_in_dim3A_74 : vector<16xi32>
        %parallel_loop3A_166 = arith.andi %parallel_loop3A_164, %parallel_loop3A_165 : vector<16xi1>
        %parallel_loop3A_167 = arith.subi %parallel_loop3A_141, %broadcast_in_dim3A_69 : vector<16xi32>
        tpu.vector_store_idx %arg13[%parallel_loop3A_167], %parallel_loop3A_147 masked %parallel_loop3A_166 {add = true} : memref<384xf32, #tpu.memory_space<vmem>>[vector<16xi32>], vector<16xf32>, vector<16xi1>
      } {sc.loop_unroll_factor = 4 : i64, sc.parallel_access}
    }
    %scan3A_79 = arith.constant 50 : i32
    "tpu.region"() ({
      %run_scoped3A = tpu.sem_alloc : memref<!tpu.dma_semaphore, #tpu.memory_space<semaphore_mem>>
      %dma_start3A_82 = tpu.memref_slice %arg6[%mul3A_4] : memref<1310720xf32, #tpu.memory_space<hbm>> -> memref<40960xf32, #tpu.memory_space<hbm>>
      %dma_start3A_83 = tpu.memref_slice %arg6[%mul3A_4] : memref<1310720xf32, #tpu.memory_space<hbm>> -> memref<40960xf32, #tpu.memory_space<hbm>>
      tpu.enqueue_dma source(%arg12 : memref<40960xf32, #tpu.memory_space<vmem>>) target(%dma_start3A_83 : memref<40960xf32, #tpu.memory_space<hbm>>) target_semaphore(%run_scoped3A : memref<!tpu.dma_semaphore, #tpu.memory_space<semaphore_mem>>)
      %dma_wait3A_84 = tpu.memref_slice %arg6[%mul3A_4] : memref<1310720xf32, #tpu.memory_space<hbm>> -> memref<40960xf32, #tpu.memory_space<hbm>>
      %dma_wait3A_85 = tpu.memref_slice %arg6[%mul3A_4] : memref<1310720xf32, #tpu.memory_space<hbm>> -> memref<40960xf32, #tpu.memory_space<hbm>>
      tpu.wait_dma2 semaphore(%run_scoped3A : memref<!tpu.dma_semaphore, #tpu.memory_space<semaphore_mem>>) src(%arg12 : memref<40960xf32, #tpu.memory_space<vmem>>) dst(%dma_wait3A_85 : memref<40960xf32, #tpu.memory_space<hbm>>)
      tpu.yield
    }) : () -> ()
    %mul3A_80 = arith.constant 384 : i32
    %mul3A_81 = arith.muli %add3A, %mul3A_80 : i32
    "tpu.region"() ({
      %run_scoped3A = tpu.sem_alloc : memref<!tpu.dma_semaphore, #tpu.memory_space<semaphore_mem>>
      %dma_start3A_82 = tpu.memref_slice %arg7[%mul3A_81] : memref<12288xf32, #tpu.memory_space<hbm>> -> memref<384xf32, #tpu.memory_space<hbm>>
      %dma_start3A_83 = tpu.memref_slice %arg7[%mul3A_81] : memref<12288xf32, #tpu.memory_space<hbm>> -> memref<384xf32, #tpu.memory_space<hbm>>
      tpu.enqueue_dma source(%arg13 : memref<384xf32, #tpu.memory_space<vmem>>) target(%dma_start3A_83 : memref<384xf32, #tpu.memory_space<hbm>>) target_semaphore(%run_scoped3A : memref<!tpu.dma_semaphore, #tpu.memory_space<semaphore_mem>>)
      %dma_wait3A_84 = tpu.memref_slice %arg7[%mul3A_81] : memref<12288xf32, #tpu.memory_space<hbm>> -> memref<384xf32, #tpu.memory_space<hbm>>
      %dma_wait3A_85 = tpu.memref_slice %arg7[%mul3A_81] : memref<12288xf32, #tpu.memory_space<hbm>> -> memref<384xf32, #tpu.memory_space<hbm>>
      tpu.wait_dma2 semaphore(%run_scoped3A : memref<!tpu.dma_semaphore, #tpu.memory_space<semaphore_mem>>) src(%arg13 : memref<384xf32, #tpu.memory_space<vmem>>) dst(%dma_wait3A_85 : memref<384xf32, #tpu.memory_space<hbm>>)
      tpu.yield
    }) : () -> ()
    return
  }
}

module attributes {stable_mosaic.version = 14 : i64} {
  func.func @_tc_body(%arg0: i32, %arg1: memref<128x2048xf32, #tpu.memory_space<vmem>>, %arg2: memref<1x2048xf32, #tpu.memory_space<vmem>>, %arg3: memref<2048x128xf32, #tpu.memory_space<vmem>>, %arg4: memref<128x128xf32, #tpu.memory_space<vmem>>, %arg5: memref<1x128xf32, #tpu.memory_space<vmem>>, %arg6: memref<2048x128xf32, #tpu.memory_space<vmem>>) attributes {dimension_semantics = [#tpu.dimension_semantics<arbitrary>], iteration_bounds = array<i64: 5>, scalar_prefetch = 0 : i64, scratch_operands = 0 : i64, tpu.core_type = #tpu.core_type<tc>, window_params = [{transform_indices = @transform_0, window_bounds = array<i64: 128, 2048>}, {transform_indices = @transform_1, window_bounds = array<i64: 1, 2048>}, {transform_indices = @transform_2, window_bounds = array<i64: 2048, 128>}, {pipeline_mode = #tpu.pipeline_mode<synchronous>, transform_indices = @transform_3, window_bounds = array<i64: 128, 128>}, {pipeline_mode = #tpu.pipeline_mode<synchronous>, transform_indices = @transform_4, window_bounds = array<i64: 1, 128>}, {transform_indices = @transform_5, window_bounds = array<i64: 2048, 128>}]} {
    %get3A = arith.constant 0 : index
    %get3A_0 = arith.constant 0 : index
    %get3A_1 = vector.load %arg1[%get3A, %get3A_0] : memref<128x2048xf32, #tpu.memory_space<vmem>>, vector<128x2048xf32>
    %get3A_2 = arith.constant 0 : index
    %get3A_3 = arith.constant 0 : index
    %get3A_4 = vector.load %arg2[%get3A_2, %get3A_3] : memref<1x2048xf32, #tpu.memory_space<vmem>>, vector<1x2048xf32>
    %div3A = arith.constant 1.000000e+00 : f32
    %div3A_5 = vector.broadcast %div3A : f32 to vector<1x2048xf32>
    %div3A_6 = arith.divf %div3A_5, %get3A_4 : vector<1x2048xf32>
    %mul3A = vector.broadcast %div3A_6 : vector<1x2048xf32> to vector<128x2048xf32>
    %mul3A_7 = arith.mulf %get3A_1, %mul3A : vector<128x2048xf32>
    %get3A_8 = arith.constant 0 : index
    %get3A_9 = arith.constant 0 : index
    %get3A_10 = vector.load %arg4[%get3A_8, %get3A_9] : memref<128x128xf32, #tpu.memory_space<vmem>>, vector<128x128xf32>
    %dot_general3A = arith.constant dense<0.000000e+00> : vector<2048x128xf32>
    %dot_general3A_11 = tpu.matmul %mul3A_7, %get3A_10, %dot_general3A {dimension_numbers = #tpu.dot_dimension_numbers<[0], [1], [1], [0], [0, 1, 1, 0], [], []>, transpose_lhs_hint = false} : vector<128x2048xf32>, vector<128x128xf32>, vector<2048x128xf32> -> vector<2048x128xf32>
    %get3A_12 = arith.constant 0 : index
    %get3A_13 = arith.constant 0 : index
    %get3A_14 = vector.load %arg3[%get3A_12, %get3A_13] : memref<2048x128xf32, #tpu.memory_space<vmem>>, vector<2048x128xf32>
    %get3A_15 = arith.constant 0 : index
    %get3A_16 = arith.constant 0 : index
    %get3A_17 = vector.load %arg5[%get3A_15, %get3A_16] : memref<1x128xf32, #tpu.memory_space<vmem>>, vector<1x128xf32>
    %add3A = vector.broadcast %get3A_17 : vector<1x128xf32> to vector<2048x128xf32>
    %add3A_18 = arith.addf %dot_general3A_11, %add3A : vector<2048x128xf32>
    %max3A = arith.constant 0.000000e+00 : f32
    %max3A_19 = vector.broadcast %max3A : f32 to vector<2048x128xf32>
    %max3A_20 = arith.maximumf %add3A_18, %max3A_19 : vector<2048x128xf32>
    %add3A_21 = arith.addf %get3A_14, %max3A_20 : vector<2048x128xf32>
    %swap3A = arith.constant 0 : index
    %swap3A_22 = arith.constant 0 : index
    %swap3A_23 = vector.load %arg6[%swap3A, %swap3A_22] : memref<2048x128xf32, #tpu.memory_space<vmem>>, vector<2048x128xf32>
    tpu.vector_store %arg6[%swap3A, %swap3A_22], %add3A_21 {strides = array<i32>} : memref<2048x128xf32, #tpu.memory_space<vmem>>, vector<2048x128xf32>,
    return
  }
  func.func @transform_0(%arg0: i32) -> (i32, i32) {
    %c0_i32 = arith.constant 0 : i32
    %c0_i32_0 = arith.constant 0 : i32
    return %c0_i32, %arg0 : i32, i32
  }
  func.func @transform_1(%arg0: i32) -> (i32, i32) {
    %c0_i32 = arith.constant 0 : i32
    %c0_i32_0 = arith.constant 0 : i32
    return %c0_i32, %arg0 : i32, i32
  }
  func.func @transform_2(%arg0: i32) -> (i32, i32) {
    %c0_i32 = arith.constant 0 : i32
    %c0_i32_0 = arith.constant 0 : i32
    return %arg0, %c0_i32 : i32, i32
  }
  func.func @transform_3(%arg0: i32) -> (i32, i32) {
    %c0_i32 = arith.constant 0 : i32
    %c0_i32_0 = arith.constant 0 : i32
    %c0_i32_1 = arith.constant 0 : i32
    return %c0_i32, %c0_i32_0 : i32, i32
  }
  func.func @transform_4(%arg0: i32) -> (i32, i32) {
    %c0_i32 = arith.constant 0 : i32
    %c0_i32_0 = arith.constant 0 : i32
    %c0_i32_1 = arith.constant 0 : i32
    return %c0_i32, %c0_i32_0 : i32, i32
  }
  func.func @transform_5(%arg0: i32) -> (i32, i32) {
    %c0_i32 = arith.constant 0 : i32
    %c0_i32_0 = arith.constant 0 : i32
    return %arg0, %c0_i32 : i32, i32
  }
}

</mosaic_0001>

<sc_bundles>
// kernel: kernel.4.cloned.1.call-start
scs
__scs_entry_jumppad:
0x0: {  	(pc) =	sbr.rel $0x88, $3  }
0x1: {  	(tag) =	ssettag $0x0;
	lr =	simm.s32 $0x1  }
0x2: {  	[smem:$0x3F9C] =	sst lr;
	_ =	strace $0xD0000000  }
0x3: {  	_ = 	snop  }
0x4: {  	_ = 	snop  }
0x5: {  	_ = 	snop  }
0x6: {  	_ = 	snop  }
0x7: {  	_ = 	snop  }
__scs_overlays_trampoline_lowered:
0x8: {  	[smem:$0x3FAB] =	sst s0  }
0x9: {  	[smem:$0x3FAC] =	sst s1  }
0xa: {  	[smem:$0x3FAD] =	sst s2  }
0xb: {  	[smem:$0x3FAE] =	sst s3  }
0xc: {  	[smem:$0x3FAF] =	sst s4  }
0xd: {  	[smem:$0x3FB0] =	sst s5  }
0xe: {  	[smem:$0x3FB1] =	sst s6  }
0xf: {  	[smem:$0x3FB2] =	sst s7  }
0x10: {  	[smem:$0x3FB3] =	sst s8  }
0x11: {  	[smem:$0x3FB4] =	sst s9;
	s0 =	simm.s32 @!p0 $0x0  }
0x12: {  	s1 =	sld [smem:$0x3F9A];
	s0 =	simm.s32 @p0 $0x1  }
0x13: {  	[smem:$0x3FB5] =	sst s0;
	s0 =	simm.s32 @!p1 $0x0  }
0x14: {  	s2 =	sld [smem:$0x3F99];
	s0 =	simm.s32 @p1 $0x1  }
0x15: {  	[smem:$0x3FB6] =	sst s0;
	s0 =	simm.s32 @!p2 $0x0  }
0x16: {  	s3 =	sld [smem:$0x3FDB];
	s0 =	simm.s32 @p2 $0x1  }
0x17: {  	s4 =	simm.s32 $0x1BF5;
	[smem:$0x3FB8] =	sst s0  }
0x18: {  	s0 =	sld [smem:$0x3F9B];
	_ =	swait.ge [sflag:s4], $0x0  }
0x19: {  	s7 =	sld [smem:$0x3F9C]  }
0x1a: {  	s8 =	sadd.s32 $0xFFFFE003, lr  }
0x1b: {  	s9 =	sadd.s32 $0xFFFFFEF7, lr;
	s5 =	simm.s32 $0xFFFFFFFF;
	p2 =	slt.u32 s8, $0xFFFFF086  }
0x1c: {  	p1 =	slt.u32 s9, $0xF7A;
	s5 =	simm.s32 @!p2 $0x0  }
0x1d: {  	s5 =	simm.s32 @p1 $0x1;
	p0 =	seq.s32 s7, s2  }
0x1e: {  	s7 =	smul.u32 @!p0 $0xF7A, s2;
	p2 =	seq.s32 @!p0 s5, $0x0  }
0x1f: {  	s9 =	smul.u32 $0xF7A, s1;
	s8 =	simm.s32 @!p0 $0x1BF5;
	p2 =	por !p2, p0  }
0x20: {  	[sflag:s8] =	ssyncset.s32 @!p0 $0xFFFFF086;
	s6 =	sadd.s32 @!p0 s3, s7;
	s7 =	simm.s32 @!p0 $0x108  }
0x21: {  	s3 =	sadd.s32 s3, s9;
	s6 =	sadd.s32 @!p0 $0x88, s6;
	s7 =	simm.s32 @p2 $0x1082  }
0x22: {  	[simem:s7], [sflag:s8] =	dma.local @!p0 [hbm:s6], $0xF7A  }
0x23: {  	s9 =	sor.u32 $0xD0000000, s2;
	s6 =	simm.s32 $0x108;
	_ =	swait.ge @!p0 [sflag:s8], $0x0  }
0x24: {  	s3 =	sadd.s32 $0x88, s3;
	s6 =	simm.s32 @!p1 $0x1082;
	[sflag:s4] =	ssyncset.s32 $0xFFFFF086  }
0x25: {  	[simem:s6], [sflag:s4] =	dma.local [hbm:s3], $0xF7A  }
0x26: {  	[smem:$0x3F9C] =	sst s1;
	(tag) =	ssettag s2;
	_ =	strace s9  }
0x27: {  	s1 =	sld [smem:$0x3FAC]  }
0x28: {  	s2 =	sld [smem:$0x3FAD]  }
0x29: {  	s4 =	sld [smem:$0x3FAF]  }
0x2a: {  	p0 =	seq.s32 s5, $0x0;
	s5 =	sld [smem:$0x3FB0]  }
0x2b: {  	s6 =	sld [smem:$0x3FB1]  }
0x2c: {  	s7 =	sld [smem:$0x3FB2]  }
0x2d: {  	s3 =	simm.s32 $0x108;
	s8 =	sld [smem:$0x3FB3]  }
0x2e: {  	s3 =	simm.s32 @!p0 $0x1082;
	s9 =	sld [smem:$0x3FB4]  }
0x2f: {  	lr =	sadd.s32 s0, s3;
	s0 =	sld [smem:$0x3FAB]  }
0x30: {  	s3 =	sld [smem:$0x3FAE]  }
0x31: {  	[smem:$0x3FB7] =	sst s10  }
0x32: {  	s10 =	sld [smem:$0x3FB5];
	_ =	sdelay $0x3  }
0x33: {  	p0 =	seq.s32 s10, $0x1;
	s10 =	sld [smem:$0x3FB7];
	_ =	sdelay $0x3  }
0x34: {  	[smem:$0x3FB7] =	sst s10  }
0x35: {  	s10 =	sld [smem:$0x3FB6];
	_ =	sdelay $0x3  }
0x36: {  	p1 =	seq.s32 s10, $0x1;
	s10 =	sld [smem:$0x3FB7];
	_ =	sdelay $0x3  }
0x37: {  	[smem:$0x3FB7] =	sst s10  }
0x38: {  	s10 =	sld [smem:$0x3FB8]  }
0x39: {  	_ = 	snop;
	(pc) =	sbr.ind lr, $3  }
0x3a: {  	_ = 	snop  }
0x3b: {  	_ = 	snop  }
0x3c: {  	p2 =	seq.s32 s10, $0x1;
	s10 =	sld [smem:$0x3FB7]  }
0x3d: {  	_ =	shalt  }
0x3e: {  	_ =	shalt  }
0x3f: {  	_ =	shalt  }
0x40: {  	_ =	shalt  }
0x41: {  	_ =	shalt  }
0x42: {  	_ =	shalt  }
0x43: {  	_ =	shalt  }
0x44: {  	_ =	shalt  }
0x45: {  	_ =	shalt  }
0x46: {  	_ =	shalt  }
0x47: {  	_ =	shalt  }
0x48: {  	_ =	shalt  }
0x49: {  	_ =	shalt  }
0x4a: {  	_ =	shalt  }
0x4b: {  	_ =	shalt  }
0x4c: {  	_ =	shalt  }
0x4d: {  	_ =	shalt  }
0x4e: {  	_ =	shalt  }
0x4f: {  	_ =	shalt  }
0x50: {  	_ =	shalt  }
0x51: {  	_ =	shalt  }
0x52: {  	_ =	shalt  }
0x53: {  	_ =	shalt  }
0x54: {  	_ =	shalt  }
0x55: {  	_ =	shalt  }
0x56: {  	_ =	shalt  }
0x57: {  	_ =	shalt  }
0x58: {  	_ =	shalt  }
0x59: {  	_ =	shalt  }
0x5a: {  	_ =	shalt  }
0x5b: {  	_ =	shalt  }
0x5c: {  	_ =	shalt  }
0x5d: {  	_ =	shalt  }
0x5e: {  	_ =	shalt  }
0x5f: {  	_ =	shalt  }
0x60: {  	_ =	shalt  }
0x61: {  	_ =	shalt  }
0x62: {  	_ =	shalt  }
0x63: {  	_ =	shalt  }
0x64: {  	_ =	shalt  }
0x65: {  	_ =	shalt  }
0x66: {  	_ =	shalt  }
0x67: {  	_ =	shalt  }
0x68: {  	_ =	shalt  }
0x69: {  	_ =	shalt  }
0x6a: {  	_ =	shalt  }
0x6b: {  	_ =	shalt  }
0x6c: {  	_ =	shalt  }
0x6d: {  	_ =	shalt  }
0x6e: {  	_ =	shalt  }
0x6f: {  	_ =	shalt  }
0x70: {  	_ =	shalt  }
0x71: {  	_ =	shalt  }
0x72: {  	_ =	shalt  }
0x73: {  	_ =	shalt  }
0x74: {  	_ =	shalt  }
0x75: {  	_ =	shalt  }
0x76: {  	_ =	shalt  }
0x77: {  	_ =	shalt  }
0x78: {  	_ =	shalt  }
0x79: {  	_ =	shalt  }
0x7a: {  	_ =	shalt  }
0x7b: {  	_ =	shalt  }
0x7c: {  	_ =	shalt  }
0x7d: {  	_ =	shalt  }
0x7e: {  	_ =	shalt  }
0x7f: {  	_ =	shalt  }
0x80: {  	_ =	shalt  }
0x81: {  	_ =	shalt  }
0x82: {  	_ =	shalt  }
0x83: {  	_ =	shalt  }
0x84: {  	_ =	shalt  }
0x85: {  	_ =	shalt  }
0x86: {  	_ =	shalt  }
0x87: {  	_ =	shalt  }
.Lfunc_end0:
.L_simem_size_0:
called_computation_lowered:
.L_overlay_start_0:
0x88: {  	s2 =	sld [smem:$0x3FD9]  }
0x89: {  	s3 =	sld [smem:$0x3FFE];
	_ =	sdelay $0x1  }
0x8a: {  	s1 =	srdreg.scid  }
0x8b: {  	s0 =	sand.u32 $0x1, s1  }
0x8c: {  	s17 =	sshll.u32 s0, $0xA;
	s2 =	sadd.s32 s3, s2  }
0x8d: {  	s2 =	sadd.s32 s2, s17  }
0x8e: {  	[smem:$0x3FC3] =	sst s2  }
0x8f: {  	_ = 	snop  }
0x90: {  	s2 =	sld [smem:$0x3FC8]  }
0x91: {  	s18 =	sld [smem:$0x3FD0];
	(tm) =	ssettm $0x1  }
0x92: {  	s4 =	sld [smem:$0x3FFB];
	_ =	sdelay $0x3  }
0x93: {  	_ =	strace s4  }
0x94: {  	s4 =	sld [smem:$0x3FFC];
	_ =	sdelay $0x3  }
0x95: {  	_ =	strace s4  }
0x96: {  	s4 =	sld [smem:$0x3FFD];
	_ =	sdelay $0x3  }
0x97: {  	_ =	strace s4  }
0x98: {  	_ =	strace $0x8FFFFFFF  }
0x99: {  	s19 =	sld [smem:$0x3FDB];
	_ =	sdelay $0x1  }
0x9a: {  	s5 =	simm.s32 $_scs_section_size  }
0x9b: {  	s6 =	simm.s32 $_size__tile_overlayer_lowered;
	s7 =	simm.s32 $_tile_overlayer_lowered  }
0x9c: {  	s22 =	simm.s32 $0x1BFF;
	s21 =	sshll.u32 s7, $0x1;
	s4 =	sadd.s32 s5, s19  }
0x9d: {  	s8 =	simm.s32 $0x0;
	s20 =	sshll.u32 s6, $0x1;
	s6 =	sadd.s32 s21, s4  }
0x9e: {  	[timem:s8], [sflag:s22] =	dma.local [hbm:s6], s20  }
0x9f: {  	_ =	swait.ge [sflag:s22], s20  }
0xa0: {  	s5 =	ssub.s32 $0x0, s20;
	[sflag:s22] =	ssyncset.done $0x0  }
0xa1: {  	[sflag:s22] =	ssyncadd.s32 s5;
	_ =	sdelay $0x1  }
0xa2: {  	s23 =	simm.s32 $0x1B8B  }
0xa3: {  	_ =	swait.ge [sflag:s23], $0x1  }
0xa4: {  	[sflag:s23] =	ssyncset.done $0x0  }
0xa5: {  	s25 =	simm.s32 $0x1B8E;
	s24 =	sld [smem:$0x3FFE];
	[sflag:s23] =	ssyncadd.s32 $0xFFFFFFFF  }
0xa6: {  	s26 =	simm.s32 $execute0_lowered;
	[smem:$0x3FD2] =	sst s25  }
0xa7: {  	s6 =	sshll.u32 s26, $0x1;
	_ =	strace $0x80000046;
	[dreg:$0x1] =	wrdreg $0xFFFFFFFF  }
0xa8: {  	s28 =	simm.s32 $_size_execute0_lowered;
	s4 =	sadd.s32 s4, s6;
	[dreg:$0x0] =	wrdreg $0x0  }
0xa9: {  	s6 =	sshll.u32 s28, $0x1;
	[dreg:$0x2] =	wrdreg s4  }
0xaa: {  	[dreg:$0x3] =	wrdreg s6  }
0xab: {  	[dreg:$0x4] =	wrdreg $0xC0  }
0xac: {  	_ =	task [dreg:s8], $0x5FFFF  }
0xad: {  	[dreg:$0x1] =	wrdreg $0xFFFFFFFF  }
0xae: {  	[dreg:$0x0] =	wrdreg $0x60  }
0xaf: {  	[dreg:$0x2] =	wrdreg s24  }
0xb0: {  	[dreg:$0x3] =	wrdreg s18  }
0xb1: {  	[dreg:$0x4] =	wrdreg s2  }
0xb2: {  	[dreg:$0x5] =	wrdreg $0x9  }
0xb3: {  	_ =	task.clear_ibuf [dreg:s8], $0x6FFFF;
	_ =	strace $0x90000046  }
0xb4: {  	s29 =	simm.s32 $0x9;
	_ =	strace $0x80000048  }
0xb5: {  	_ =	swait.ge [sflag:s29], $0x1  }
0xb6: {  	[sflag:s29] =	ssyncadd.s32 $0xFFFFFFFF  }
0xb7: {  	_ =	strace $0x90000048  }
0xb8: {  	_ =	sfence  }
0xb9: {  	s30 =	sld [smem:$0x0];
	_ =	sdelay $0x2  }
0xba: {  	s31 =	sshll.u32 s1, $0xD;
	s1 =	sshrl.u32 s1, $0x2  }
0xbb: {  	s3 =	sand.u32 $0x4000, s31;
	s1 =	sadd.s32 s1, s30  }
0xbc: {  	s0 =	sor.u32 s3, s0;
	s1 =	sshll.u32 s1, $0x11  }
0xbd: {  	s0 =	sor.u32 s1, s0  }
0xbe: {  	s0 =	sadd.s32 $0x8F2B, s0  }
0xbf: {  	[sflag:s0] =	ssyncadd.remote.s32 $0x1  }
0xc0: {  	_ =	sfence.sel $0xFFFF  }
0xc1: {  	[dreg:$0x0] =	wrdreg $0xFFFFFFFF;
	(pc) =	sbr.abs _section_cstart, $3  }
0xc2: {  	[dreg:$0x1] =	wrdreg $0xFFFFFFFF  }
0xc3: {  	_ =	task.clear_ibuf [dreg:s8], $0x2FFFF;
	_ =	strace $0x9FFFFFFF  }
0xc4: {  	(tm) =	ssettm $0x7FFFFFFF  }
0xc5: {  	_ =	shalt  }
tec
execute0_lowered:
.L_overlay_start_1:
0x0: {  	(tag) =	ssettag $0x1  }
0x1: {  	s6 =	rddreg [dreg:$0x0]  }
0x2: {  	s0 =	srdreg.scid;
	s2 =	rddreg [dreg:$0x1]  }
0x3: {  	s3 =	rddreg [dreg:$0x2];
	s7 =	sand.u32 $0x1, s0  }
0x4: {  	s1 =	stileid.u32;
	s4 =	simm.s32 $0x0;
	s5 =	sshll.u32 s7, $0x4  }
0x5: {  	s11 =	simm.s32 $0x1;
	s12 =	simm.s32 $0x13600;
	s5 =	sor.u32 s1, s5  }
0x6: {  	s15 =	simm.s32 $0x0;
	s0 =	rddreg [dreg:$0x3];
	s13 =	smul.u32 $0x180, s5  }
0x7: {  	[smem:$0x7FF] =	sst s4;
	s7 =	ssub.s32 $0x2, s7;
	s8 =	smul.u32 $0x1400, s5  }
0x8: {  	_ =	strace $0x80000047;
	s31 =	sshrl.u32 s7, $0x1;
	s5 =	sadd.s32 $0x800, s6  }
0x9: {  	s10 =	ssub.s32 s7, s31;
	s9 =	sshrl.u32 s13, $0x3;
	s8 =	sadd.s32 s8, s6  }
0xa: {  	s14 =	sadd.s32 $0x180, s13;
	v0 =	vmov s13;
	s13 =	simm.s32 $0x1D600;
	s9 =	sadd.s32 s9, s6  }
0xb: {  	s6 =	sadd.s32 $0xA600, s8;
	s7 =	sadd.s32 $0x32600, s8;
	v1 =	vmov s14;
	s14 =	simm.s32 $0x4  }
0xc: {  	v2 =	vimm.f32 $0.0e+00;
	s8 =	sadd.s32 $0x5A600, s9;
	s9 =	smax.u32 s10, $0x1;
	s10 =	simm.s32 $0x9600  }
.LBB2_1:
0xd: {  	[tilespmem:s10], [sflag:$0x1] =	stream.linear.gather [hbm4b:s6+s4], $0xA000, $0x38;
	[tilespmem:$0x1D780] =	vst v63  }
0xe: {  	s17 =	simm.s32 $0x0;
	s18 =	simm.s32 $0x0  }
.LBB2_2:
0xf: {  	p0 =	sne.s32 s18, $0x310  }
.Ltmp0:
0x10: {  	_ = 	snop;
	(pc) =	sbr.rel @p0 .LBB2_2-.Ltmp0, $4  }
0x11: {  	_ = 	snop  }
0x12: {  	s19 =	sadd.s32 s18, s5;
	s16 =	simm.s32 $0x0  }
0x13: {  	[tilespmem:s17], [sflag:$0x2] =	stream.linear.gather [hbm4b:s19+s16], $0x80, $0x38;
	[tilespmem:$0x1D780] =	vst v63  }
0x14: {  	s18 =	sadd.s32 $0x10, s18;
	s17 =	sadd.s32 $0x100, s17  }
0x15: {  	s17 =	simm.s32 $0x3200;
	s18 =	simm.s32 $0x0  }
.LBB2_4:
0x16: {  	p0 =	sne.s32 s18, $0x310  }
.Ltmp1:
0x17: {  	_ = 	snop;
	(pc) =	sbr.rel @p0 .LBB2_4-.Ltmp1, $4  }
0x18: {  	_ = 	snop  }
0x19: {  	s19 =	sadd.s32 s18, s2  }
0x1a: {  	[tilespmem:s17], [sflag:$0x2] =	stream.linear.gather [hbm4b:s19+s16], $0x80, $0x38;
	[tilespmem:$0x1D780] =	vst v63  }
0x1b: {  	s18 =	sadd.s32 $0x10, s18;
	s17 =	sadd.s32 $0x100, s17  }
0x1c: {  	s16 =	simm.s32 $0x6400;
	s18 =	sadd.s32 $0x0, s3;
	s17 =	simm.s32 $0x0  }
0x1d: {  	[tilespmem:s16], [sflag:$0x2] =	stream.linear.gather [hbm4b:s18+s17], $0x80, $0x38;
	[tilespmem:$0x1D780] =	vst v63  }
0x1e: {  	s18 =	simm.s32 $0x10  }
.LBB2_6:
0x1f: {  	p0 =	sne.s32 s18, $0x310  }
.Ltmp2:
0x20: {  	_ = 	snop;
	(pc) =	sbr.rel @p0 .LBB2_6-.Ltmp2, $4  }
0x21: {  	_ = 	snop  }
0x22: {  	s19 =	sadd.s32 s18, s3;
	s16 =	sadd.s32 $0x100, s16  }
0x23: {  	s18 =	sadd.s32 $0x10, s18  }
0x24: {  	[tilespmem:s16], [sflag:$0x2] =	stream.linear.gather [hbm4b:s19+s17], $0x80, $0x38;
	[tilespmem:$0x1D780] =	vst v63  }
0x25: {  	s16 =	simm.s32 $0x40;
	s17 =	simm.s32 $0x0  }
.LBB2_8:
0x26: {  	p0 =	sne.s32 s16, $0x27FC0;
	[tilespmem:s17+$0x13600] =	vst v2;
	s17 =	smov.u32 s16;
	s16 =	sadd.s32 $0x40, s16  }
.Ltmp3:
0x27: {  	(pc) =	sbr.rel @p0 .LBB2_8-.Ltmp3, $2  }
0x28: {  	_ =	sdelay $0x2  }
0x29: {  	s17 =	sshra.s32 s17, $0x2  }
0x2a: {  	[tilespmem:s17+$0x13600] =	vst v2  }
0x2b: {  	[tilespmem:$0x1D600] =	vst v2  }
0x2c: {  	[tilespmem:$0x1D610] =	vst v2  }
0x2d: {  	[tilespmem:$0x1D620] =	vst v2  }
0x2e: {  	[tilespmem:$0x1D630] =	vst v2  }
0x2f: {  	[tilespmem:$0x1D640] =	vst v2  }
0x30: {  	[tilespmem:$0x1D650] =	vst v2  }
0x31: {  	[tilespmem:$0x1D660] =	vst v2  }
0x32: {  	[tilespmem:$0x1D670] =	vst v2  }
0x33: {  	[tilespmem:$0x1D680] =	vst v2  }
0x34: {  	[tilespmem:$0x1D690] =	vst v2  }
0x35: {  	[tilespmem:$0x1D6A0] =	vst v2  }
0x36: {  	[tilespmem:$0x1D6B0] =	vst v2  }
0x37: {  	[tilespmem:$0x1D6C0] =	vst v2  }
0x38: {  	[tilespmem:$0x1D6D0] =	vst v2  }
0x39: {  	[tilespmem:$0x1D6E0] =	vst v2  }
0x3a: {  	[tilespmem:$0x1D6F0] =	vst v2  }
0x3b: {  	[tilespmem:$0x1D700] =	vst v2  }
0x3c: {  	[tilespmem:$0x1D710] =	vst v2  }
0x3d: {  	[tilespmem:$0x1D720] =	vst v2  }
0x3e: {  	[tilespmem:$0x1D730] =	vst v2  }
0x3f: {  	[tilespmem:$0x1D740] =	vst v2  }
0x40: {  	[tilespmem:$0x1D750] =	vst v2  }
0x41: {  	[tilespmem:$0x1D760] =	vst v2  }
0x42: {  	[tilespmem:$0x1D770] =	vst v2  }
0x43: {  	_ =	swait.ge [sflag:s11], $0xA000  }
0x44: {  	[sflag:s11] =	ssyncset.done $0x0  }
0x45: {  	s16 =	simm.s32 $0x0;
	p0 =	por $0x1, $0x1;
	[sflag:s11] =	ssyncadd.s32 $0xFFFF6000  }
.LBB2_11:
0x46: {  	p1 =	seq.s32 s16, $0x31  }
.Ltmp4:
0x47: {  	_ = 	snop;
	(pc) =	sbr.rel @p1 .LBB2_19-.Ltmp4, $2  }
0x48: {  	_ =	sdelay $0x2  }
0x49: {  	s17 =	sand.u32 $0x1, s16;
	s16 =	sadd.s32 $0x1, s16  }
0x4a: {  	s18 =	simm.s32 $0x1  }
0x4b: {  	s20 =	smul.u32 $0x320, s16;
	s18 =	simm.s32 @!p0 $0x0  }
0x4c: {  	s19 =	sxor.u32 $0x1, s17;
	s24 =	simm.s32 $0x10;
	s22 =	sshll.u32 s18, $0x7  }
0x4d: {  	s19 =	sor.u32 $0x2, s19;
	s23 =	sadd.s32 s5, s20;
	s18 =	sor.u32 $0x6400, s22  }
0x4e: {  	s21 =	sor.u32 $0x3200, s22;
	s26 =	sadd.s32 $0x0, s23;
	s25 =	sadd.s32 $0x100, s22  }
.LBB2_13:
0x4f: {  	[tilespmem:s22], [sflag:s19] =	stream.linear.gather [hbm4b:s26+s4], $0x80, $0x38;
	[tilespmem:$0x1D780] =	vst v63  }
0x50: {  	s26 =	smov.u32 s24;
	s22 =	smov.u32 s25;
	p1 =	sne.s32 s24, $0x310  }
.Ltmp5:
0x51: {  	s24 =	sadd.s32 $0x10, s24;
	(pc) =	sbr.rel @p1 .LBB2_13-.Ltmp5, $2  }
0x52: {  	_ =	sdelay $0x2  }
0x53: {  	s25 =	sadd.s32 $0x100, s25;
	s26 =	sadd.s32 s26, s23  }
0x54: {  	[tilespmem:s22], [sflag:s19] =	stream.linear.gather [hbm4b:s26+s4], $0x80, $0x38;
	[tilespmem:$0x1D780] =	vst v63  }
0x55: {  	s22 =	sadd.s32 s2, s20  }
0x56: {  	s23 =	simm.s32 $0x10;
	s24 =	sadd.s32 $0x100, s21;
	s25 =	sadd.s32 $0x0, s22  }
.LBB2_15:
0x57: {  	[tilespmem:s21], [sflag:s19] =	stream.linear.gather [hbm4b:s25+s4], $0x80, $0x38;
	[tilespmem:$0x1D780] =	vst v63  }
0x58: {  	s25 =	smov.u32 s23;
	s21 =	smov.u32 s24;
	p1 =	sne.s32 s23, $0x310  }
.Ltmp6:
0x59: {  	s23 =	sadd.s32 $0x10, s23;
	(pc) =	sbr.rel @p1 .LBB2_15-.Ltmp6, $2  }
0x5a: {  	_ =	sdelay $0x2  }
0x5b: {  	s24 =	sadd.s32 $0x100, s24;
	s25 =	sadd.s32 s25, s22  }
0x5c: {  	[tilespmem:s21], [sflag:s19] =	stream.linear.gather [hbm4b:s25+s4], $0x80, $0x38;
	[tilespmem:$0x1D780] =	vst v63  }
0x5d: {  	s20 =	sadd.s32 s3, s20  }
0x5e: {  	s21 =	simm.s32 $0x10;
	s22 =	sadd.s32 $0x100, s18;
	s23 =	sadd.s32 $0x0, s20  }
.LBB2_17:
0x5f: {  	[tilespmem:s18], [sflag:s19] =	stream.linear.gather [hbm4b:s23+s4], $0x80, $0x38;
	[tilespmem:$0x1D780] =	vst v63  }
0x60: {  	s23 =	smov.u32 s21;
	s18 =	smov.u32 s22;
	p1 =	sne.s32 s21, $0x310  }
.Ltmp7:
0x61: {  	s21 =	sadd.s32 $0x10, s21;
	(pc) =	sbr.rel @p1 .LBB2_17-.Ltmp7, $2  }
0x62: {  	_ =	sdelay $0x2  }
0x63: {  	s22 =	sadd.s32 $0x100, s22;
	s23 =	sadd.s32 s23, s20  }
0x64: {  	[tilespmem:s18], [sflag:s19] =	stream.linear.gather [hbm4b:s23+s4], $0x80, $0x38;
	[tilespmem:$0x1D780] =	vst v63  }
.LBB2_19:
0x65: {  	s20 =	sor.u32 $0x2, s17  }
0x66: {  	_ =	swait.ge [sflag:s20], $0x1900  }
0x67: {  	[sflag:s20] =	ssyncset.done $0x0  }
0x68: {  	[sflag:s20] =	ssyncadd.s32 $0xFFFFE700  }
0x69: {  	_ =	swait.ge [sflag:s20], $0x1900  }
0x6a: {  	[sflag:s20] =	ssyncset.done $0x0  }
0x6b: {  	s17 =	sshll.u32 s17, $0x7;
	s18 =	simm.s32 $0x0;
	[sflag:s20] =	ssyncadd.s32 $0xFFFFE700  }
0x6c: {  	s19 =	sor.u32 $0x30, s17;
	s22 =	sand.u32 $0x40, s18;
	_ =	swait.ge [sflag:s20], $0x1900  }
0x6d: {  	s23 =	sand.u32 $0x3F00, s18;
	s21 =	sor.u32 s19, s22;
	[sflag:s20] =	ssyncset.done $0x0  }
0x6e: {  	s24 =	sor.u32 s23, s21;
	[sflag:s20] =	ssyncadd.s32 $0xFFFFE700  }
0x6f: {  	v8 =	vld [tilespmem:s24+$0x3200];
	_ =	sdelay $0x1  }
0x70: {  	s25 =	sor.u32 s17, s22  }
0x71: {  	s25 =	sor.u32 s23, s25  }
0x72: {  	v6 =	vld [tilespmem:s25+$0x3200]  }
0x73: {  	v10 =	vld [tilespmem:s24+$0x0]  }
0x74: {  	v18 =	vld [tilespmem:s24+$0x6400]  }
0x75: {  	s20 =	sor.u32 $0x10, s17;
	v4 =	vld [tilespmem:s25+$0x6400]  }
0x76: {  	s21 =	sor.u32 $0x20, s17;
	s26 =	sor.u32 s20, s22;
	v5 =	vld.idx.msk [tilespmem:v8+s10+$0x0], $0xffff  }
0x77: {  	s22 =	sor.u32 s21, s22;
	v15 =	vld [tilespmem:s25+$0x0];
	s26 =	sor.u32 s23, s26  }
0x78: {  	s22 =	sor.u32 s23, s22;
	v7 =	vld [tilespmem:s26+$0x3200]  }
0x79: {  	v9 =	vld [tilespmem:s22+$0x3200];
	v12 =	vadd.s32 $0x2800, v8  }
0x7a: {  	v3 =	vld [tilespmem:s26+$0x6400]  }
0x7b: {  	v17 =	vld [tilespmem:s26+$0x0];
	v5 =	vmul.f32 v5, v18  }
0x7c: {  	v11 =	vld.idx.msk [tilespmem:v6+s10+$0x0], $0xffff  }
0x7d: {  	[tilespmem:v10+s12+$0x0] =	vst.idx.add.f32.msk $0xffff, v5  }
0x7e: {  	v12 =	vld.idx.msk [tilespmem:v12+s10+$0x0], $0xffff  }
0x7f: {  	v20 =	vld [tilespmem:s22+$0x0];
	v14 =	vadd.s32 $0x2800, v6  }
0x80: {  	v19 =	vadd.s32 $0x2800, v10;
	v13 =	vld.idx.msk [tilespmem:v7+s10+$0x0], $0xffff  }
0x81: {  	v21 =	vadd.s32 $0x5000, v8;
	v16 =	vld.idx.msk [tilespmem:v9+s10+$0x0], $0xffff;
	v11 =	vmul.f32 v11, v4  }
0x82: {  	v5 =	vld [tilespmem:s22+$0x6400]  }
0x83: {  	v23 =	vadd.s32 $0x7800, v6;
	v22 =	vadd.s32 $0x2800, v7;
	[tilespmem:v15+s12+$0x0] =	vst.idx.add.f32.msk $0xffff, v11;
	v11 =	vmul.f32 v12, v18  }
0x84: {  	v56 =	vsub.s32 v15, v0;
	vm0 =	vge.s32 v15, v0;
	vm1 =	vlt.s32 v15, v1;
	v25 =	vld.idx.msk [tilespmem:v14+s10+$0x0], $0xffff  }
0x85: {  	v26 =	vadd.s32 $0x2800, v9;
	v27 =	vadd.s32 $0x5000, v9;
	v13 =	vmul.f32 v13, v3;
	[tilespmem:v19+s12+$0x0] =	vst.idx.add.f32.msk $0xffff, v11  }
0x86: {  	v12 =	vadd.s32 $0x5000, v6;
	v6 =	vadd.s32 $0x7800, v9;
	v9 =	vadd.s32 $0x2800, v15;
	v19 =	vld.idx.msk [tilespmem:v21+s10+$0x0], $0xffff  }
0x87: {  	v30 =	vadd.s32 $0x5000, v10;
	vm3 =	vlt.s32 v10, v1;
	[tilespmem:v17+s12+$0x0] =	vst.idx.add.f32.msk $0xffff, v13;
	v16 =	vmul.f32 v16, v5  }
0x88: {  	v58 =	vadd.s32 $0x7800, v10;
	v59 =	vand.u32 $0x7F, v15;
	vm0 =	vmand vm0, vm1;
	v22 =	vld.idx.msk [tilespmem:v22+s10+$0x0], $0xffff  }
0x89: {  	vm1 =	vge.s32 v10, v0;
	v8 =	vadd.s32 $0x7800, v8;
	[tilespmem:v20+s12+$0x0] =	vst.idx.add.f32.msk $0xffff, v16;
	v16 =	vmul.f32 v25, v4  }
0x8a: {  	v24 =	vadd.s32 $0x5000, v7;
	v28 =	vadd.s32 $0x2800, v17;
	v57 =	vsub.s32 v17, v0;
	v26 =	vld.idx.msk [tilespmem:v26+s10+$0x0], $0xffff  }
0x8b: {  	v29 =	vadd.s32 $0x2800, v20;
	v31 =	vsub.s32 v20, v0;
	[tilespmem:v9+s12+$0x0] =	vst.idx.add.f32.msk $0xffff, v16;
	v9 =	vmul.f32 v19, v18  }
0x8c: {  	vm2 =	vge.s32 v17, v0;
	vm4 =	vlt.s32 v17, v1;
	vm5 =	vge.s32 v20, v0;
	v12 =	vld.idx.msk [tilespmem:v12+s10+$0x0], $0xffff  }
0x8d: {  	vm3 =	vmand vm1, vm3;
	vm1 =	vlt.s32 v20, v1;
	v16 =	vmul.f32 v22, v3;
	[tilespmem:v30+s12+$0x0] =	vst.idx.add.f32.msk $0xffff, v9  }
0x8e: {  	v62 =	vand.u32 $0x7F, v20;
	vm2 =	vmand vm2, vm4;
	v11 =	vadd.s32 $0x5000, v15;
	v8 =	vld.idx.msk [tilespmem:v8+s10+$0x0], $0xffff  }
0x8f: {  	vm1 =	vmand vm5, vm1;
	[tilespmem:v28+s12+$0x0] =	vst.idx.add.f32.msk $0xffff, v16;
	v16 =	vsub.s32 v10, v0;
	v19 =	vmul.f32 v26, v5  }
0x90: {  	vm2 =	vmmov vm2;
	v10 =	vand.u32 $0x7F, v10;
	v24 =	vld.idx.msk [tilespmem:v24+s10+$0x0], $0xffff;
	v16 =	vand.u32 $0xFFFFFF80, v16  }
0x91: {  	vm1 =	vmmov vm1;
	v61 =	vor.u32 v10, v16;
	[tilespmem:v29+s12+$0x0] =	vst.idx.add.f32.msk $0xffff, v19;
	v60 =	vmul.f32 v12, v4  }
0x92: {  	v7 =	vadd.s32 $0x7800, v7;
	v14 =	vadd.s32 $0x5000, v17;
	v13 =	vadd.s32 $0x5000, v20;
	v19 =	vld.idx.msk [tilespmem:v27+s10+$0x0], $0xffff  }
0x93: {  	v16 =	vand.u32 $0x7F, v17;
	v9 =	vand.u32 $0xFFFFFF80, v57;
	[tilespmem:v11+s12+$0x0] =	vst.idx.add.f32.msk $0xffff, v60;
	v63 =	vmul.f32 v8, v18  }
0x94: {  	v15 =	vadd.s32 $0x7800, v15;
	v21 =	vand.u32 $0xFFFFFF80, v56;
	v8 =	vor.u32 v16, v9;
	v16 =	vld.idx.msk [tilespmem:v23+s10+$0x0], $0xffff  }
0x95: {  	v10 =	vand.u32 $0xFFFFFF80, v31;
	v11 =	vadd.s32 $0x7800, v17;
	v17 =	vmul.f32 v24, v3;
	[tilespmem:v58+s12+$0x0] =	vst.idx.add.f32.msk $0xffff, v63  }
0x96: {  	s23 =	simm.s32 $0x40;
	s22 =	simm.s32 $0x0;
	v12 =	vor.u32 v59, v21;
	v9 =	vor.u32 v62, v10;
	v10 =	vadd.s32 $0x7800, v20;
	[tilespmem:v61+s13+$0x0] =	vst.idx.add.f32.msk vm3, v18  }
.LBB2_20:
0x97: {  	s24 =	sand.u32 $0x40, s23;
	[tilespmem:v14+s12+$0x0] =	vst.idx.add.f32.msk $0xffff, v17;
	v14 =	vmul.f32 v19, v5;
	s18 =	sadd.s32 $0x80, s18  }
0x98: {  	s22 =	sadd.s32 $0x4, s22;
	s25 =	sand.u32 $0x3F00, s18;
	s26 =	sor.u32 s19, s24;
	v7 =	vld.idx.msk [tilespmem:v7+s10+$0x0], $0xffff  }
0x99: {  	s28 =	sor.u32 s17, s24;
	p1 =	slt.u32 s22, $0x18C;
	s26 =	sor.u32 s25, s26;
	[tilespmem:v13+s12+$0x0] =	vst.idx.add.f32.msk $0xffff, v14  }
0x9a: {  	s29 =	sor.u32 s20, s24;
	s24 =	sor.u32 s21, s24;
	s28 =	sor.u32 s25, s28;
	v13 =	vmul.f32 v16, v4;
	v19 =	vld [tilespmem:s26+$0x3200]  }
0x9b: {  	s29 =	sor.u32 s25, s29;
	s24 =	sor.u32 s25, s24;
	v14 =	vld [tilespmem:s28+$0x3200]  }
0x9c: {  	v20 =	vld [tilespmem:s29+$0x3200]  }
0x9d: {  	v21 =	vld [tilespmem:s24+$0x3200]  }
0x9e: {  	v23 =	vmul.f32 v7, v3;
	v22 =	vld [tilespmem:s28+$0x6400]  }
0x9f: {  	v24 =	vld [tilespmem:s29+$0x6400]  }
0xa0: {  	v25 =	vadd.s32 $0x2800, v14;
	v26 =	vadd.s32 $0x5000, v14;
	v16 =	vadd.s32 $0x7800, v14;
	v17 =	vld [tilespmem:s24+$0x6400]  }
0xa1: {  	v27 =	vadd.s32 $0x2800, v20;
	v28 =	vadd.s32 $0x5000, v20;
	v7 =	vadd.s32 $0x7800, v20;
	v29 =	vld [tilespmem:s26+$0x0]  }
0xa2: {  	v30 =	vadd.s32 $0x2800, v21;
	v31 =	vadd.s32 $0x5000, v21;
	v32 =	vadd.s32 $0x7800, v21;
	v33 =	vld.idx.msk [tilespmem:v19+s10+$0x0], $0xffff  }
0xa3: {  	v18 =	vld [tilespmem:s26+$0x6400]  }
0xa4: {  	v14 =	vld.idx.msk [tilespmem:v14+s10+$0x0], $0xffff  }
0xa5: {  	v20 =	vld.idx.msk [tilespmem:v20+s10+$0x0], $0xffff  }
0xa6: {  	v34 =	vadd.s32 $0x2800, v19;
	v21 =	vld.idx.msk [tilespmem:v21+s10+$0x0], $0xffff  }
0xa7: {  	v35 =	vld [tilespmem:s28+$0x0]  }
0xa8: {  	v36 =	vld [tilespmem:s29+$0x0];
	v33 =	vmul.f32 v33, v18  }
0xa9: {  	v37 =	vld [tilespmem:s24+$0x0]  }
0xaa: {  	v38 =	vmul.f32 v14, v22;
	[tilespmem:v29+s12+$0x0] =	vst.idx.add.f32.msk $0xffff, v33  }
0xab: {  	v20 =	vmul.f32 v20, v24;
	v33 =	vld.idx.msk [tilespmem:v34+s10+$0x0], $0xffff  }
0xac: {  	v21 =	vmul.f32 v21, v17;
	v34 =	vadd.s32 $0x2800, v35;
	v39 =	vadd.s32 $0x5000, v35;
	v40 =	vld.idx.msk [tilespmem:v6+s10+$0x0], $0xffff;
	v6 =	vmovc v32  }
0xad: {  	v32 =	vsub.s32 v35, v0;
	v41 =	vadd.s32 $0x2800, v36;
	v14 =	vadd.s32 $0x5000, v36;
	[tilespmem:v15+s12+$0x0] =	vst.idx.add.f32.msk $0xffff, v13  }
0xae: {  	v15 =	vadd.s32 $0x2800, v29;
	v42 =	vadd.s32 $0x2800, v37;
	v13 =	vadd.s32 $0x5000, v37;
	[tilespmem:v12+s13+$0x0] =	vst.idx.add.f32.msk vm0, v4;
	v4 =	vmovc v22  }
0xaf: {  	v12 =	vsub.s32 v36, v0;
	v22 =	vsub.s32 v37, v0;
	[tilespmem:v35+s12+$0x0] =	vst.idx.add.f32.msk $0xffff, v38;
	v38 =	vadd.s32 $0x5000, v19  }
0xb0: {  	vm3 =	vlt.s32 v35, v1;
	v32 =	vand.u32 $0xFFFFFF80, v32;
	vm0 =	vge.s32 v35, v0;
	[tilespmem:v36+s12+$0x0] =	vst.idx.add.f32.msk $0xffff, v20  }
0xb1: {  	vm4 =	vge.s32 v36, v0;
	v20 =	vand.u32 $0xFFFFFF80, v12;
	v12 =	vmul.f32 v33, v18;
	[tilespmem:v37+s12+$0x0] =	vst.idx.add.f32.msk $0xffff, v21  }
0xb2: {  	vm5 =	vlt.s32 v36, v1;
	vm6 =	vge.s32 v37, v0;
	v21 =	vld.idx.msk [tilespmem:v25+s10+$0x0], $0xffff;
	v25 =	vmul.f32 v40, v5  }
0xb3: {  	vm7 =	vlt.s32 v37, v1;
	v22 =	vand.u32 $0xFFFFFF80, v22;
	v33 =	vand.u32 $0x7F, v35;
	[tilespmem:v15+s12+$0x0] =	vst.idx.add.f32.msk $0xffff, v12  }
0xb4: {  	vm0 =	vmand vm0, vm3;
	v40 =	vand.u32 $0x7F, v37;
	v15 =	vand.u32 $0x7F, v36;
	v38 =	vld.idx.msk [tilespmem:v38+s10+$0x0], $0xffff  }
0xb5: {  	vm4 =	vmand vm4, vm5;
	v12 =	vor.u32 v33, v32;
	v20 =	vor.u32 v15, v20;
	v27 =	vld.idx.msk [tilespmem:v27+s10+$0x0], $0xffff  }
0xb6: {  	vm3 =	vmand vm6, vm7;
	v22 =	vor.u32 v40, v22;
	v15 =	vadd.s32 $0x7800, v35;
	v30 =	vld.idx.msk [tilespmem:v30+s10+$0x0], $0xffff  }
0xb7: {  	v32 =	vadd.s32 $0x7800, v37;
	v33 =	vadd.s32 $0x5000, v29;
	[tilespmem:v11+s12+$0x0] =	vst.idx.add.f32.msk $0xffff, v23;
	v11 =	vadd.s32 $0x7800, v36  }
0xb8: {  	v19 =	vadd.s32 $0x7800, v19;
	v21 =	vmul.f32 v21, v4;
	[tilespmem:v8+s13+$0x0] =	vst.idx.add.f32.msk vm2, v3;
	v3 =	vmovc v24;
	v8 =	vmov v20  }
0xb9: {  	vm2 =	vmmov vm4;
	[tilespmem:v10+s12+$0x0] =	vst.idx.add.f32.msk $0xffff, v25;
	v10 =	vmov v32  }
0xba: {  	v20 =	vmul.f32 v38, v18;
	[tilespmem:v34+s12+$0x0] =	vst.idx.add.f32.msk $0xffff, v21  }
0xbb: {  	v23 =	vmul.f32 v27, v3;
	v21 =	vld.idx.msk [tilespmem:v26+s10+$0x0], $0xffff  }
0xbc: {  	v24 =	vmul.f32 v30, v17;
	[tilespmem:v33+s12+$0x0] =	vst.idx.add.f32.msk $0xffff, v20  }
0xbd: {  	v20 =	vld.idx.msk [tilespmem:v19+s10+$0x0], $0xffff  }
0xbe: {  	[tilespmem:v41+s12+$0x0] =	vst.idx.add.f32.msk $0xffff, v23;
	v23 =	vadd.s32 $0x7800, v29  }
0xbf: {  	vm5 =	vlt.s32 v29, v1;
	vm4 =	vge.s32 v29, v0;
	v19 =	vsub.s32 v29, v0;
	v25 =	vld.idx.msk [tilespmem:v28+s10+$0x0], $0xffff  }
0xc0: {  	vm4 =	vmand vm4, vm5;
	v26 =	vand.u32 $0xFFFFFF80, v19;
	[tilespmem:v42+s12+$0x0] =	vst.idx.add.f32.msk $0xffff, v24;
	v24 =	vand.u32 $0x7F, v29  }
0xc1: {  	v21 =	vmul.f32 v21, v4;
	v19 =	vld.idx.msk [tilespmem:v31+s10+$0x0], $0xffff;
	v24 =	vor.u32 v24, v26  }
.Ltmp8:
0xc2: {  	[tilespmem:v9+s13+$0x0] =	vst.idx.add.f32.msk vm1, v5;
	v5 =	vmov v17;
	v9 =	vmov v22;
	vm1 =	vmmov vm3;
	(pc) =	sbr.rel @p1 .LBB2_20-.Ltmp8, $4  }
0xc3: {  	v20 =	vmul.f32 v20, v18;
	[tilespmem:v39+s12+$0x0] =	vst.idx.add.f32.msk $0xffff, v21  }
0xc4: {  	v16 =	vld.idx.msk [tilespmem:v16+s10+$0x0], $0xffff  }
0xc5: {  	v17 =	vmul.f32 v25, v3;
	[tilespmem:v23+s12+$0x0] =	vst.idx.add.f32.msk $0xffff, v20  }
0xc6: {  	s23 =	sadd.s32 $0x40, s23;
	[tilespmem:v24+s13+$0x0] =	vst.idx.add.f32.msk vm4, v18  }
0xc7: {  	_ =	sdelay $0x3  }
0xc8: {  	[tilespmem:v14+s12+$0x0] =	vst.idx.add.f32.msk $0xffff, v17;
	v61 =	vmul.f32 v19, v5  }
0xc9: {  	v7 =	vld.idx.msk [tilespmem:v7+s10+$0x0], $0xffff  }
0xca: {  	[tilespmem:v13+s12+$0x0] =	vst.idx.add.f32.msk $0xffff, v61  }
0xcb: {  	v6 =	vld.idx.msk [tilespmem:v6+s10+$0x0], $0xffff  }
0xcc: {  	v62 =	vmul.f32 v16, v4;
	_ =	sdelay $0x1  }
0xcd: {  	[tilespmem:v15+s12+$0x0] =	vst.idx.add.f32.msk $0xffff, v62;
	v7 =	vmul.f32 v7, v3  }
0xce: {  	[tilespmem:v12+s13+$0x0] =	vst.idx.add.f32.msk vm0, v4  }
0xcf: {  	v63 =	vmul.f32 v6, v5;
	[tilespmem:v11+s12+$0x0] =	vst.idx.add.f32.msk $0xffff, v7  }
0xd0: {  	[tilespmem:v8+s13+$0x0] =	vst.idx.add.f32.msk vm2, v3  }
0xd1: {  	[tilespmem:v10+s12+$0x0] =	vst.idx.add.f32.msk $0xffff, v63  }
0xd2: {  	[tilespmem:v9+s13+$0x0] =	vst.idx.add.f32.msk vm1, v5  }
0xd3: {  	p1 =	seq.s32 s16, $0x32  }
.Ltmp9:
0xd4: {  	_ = 	snop;
	(pc) =	sbr.rel @!p1 .LBB2_11-.Ltmp9, $2  }
0xd5: {  	_ =	sdelay $0x2  }
0xd6: {  	p0 =	por !p0, !p0  }
0xd7: {  	[hbm4b:s7+s4] =	stream.linear.scatter [tilespmem:s12], [sflag:$0x4], $0xA000, $0x38;
	[tilespmem:$0x1D780] =	vst v63  }
0xd8: {  	s15 =	sadd.s32 $0x1, s15;
	_ =	swait.ge [sflag:s14], $0xA000  }
0xd9: {  	p0 =	sne.s32 s15, s9;
	[sflag:s14] =	ssyncset.done $0x0  }
.Ltmp10:
0xda: {  	[sflag:s14] =	ssyncadd.s32 $0xFFFF6000;
	(pc) =	sbr.rel @p0 .LBB2_1-.Ltmp10, $4  }
0xdb: {  	[hbm4b:s8+s4] =	stream.linear.scatter [tilespmem:s13], [sflag:$0x4], $0x180, $0x38;
	[tilespmem:$0x1D780] =	vst v63  }
0xdc: {  	_ =	swait.ge [sflag:s14], $0x180  }
0xdd: {  	[sflag:s14] =	ssyncset.done $0x0  }
0xde: {  	[sflag:s14] =	ssyncadd.s32 $0xFFFFFE80  }
0xdf: {  	_ =	sfence.sel $0x180000  }
0xe0: {  	[bflag:$0x0] =	sbarrier.arrive $0xFFFF  }
0xe1: {  	p0 =	sne.s32 s1, $0x0;
	_ =	strace $0x90000047  }
0xe2: {  	s0 =	sadd.s32 @!p0 $0x100000, s0;
	[bflag:$0x2] =	sbarrier.arrive $0xFFFF  }
0xe3: {  	[sflag:s0] =	ssyncadd.tile.s32 @!p0 $0x1;
	_ =	shalt  }
.Lfunc_end2:
_tile_overlayer_lowered:
.L_overlay_start_2:
0xe4: {  	(tag) =	ssettag $0x2  }
0xe5: {  	s0 =	rddreg [dreg:$0x0];
	s2 =	stileid.u32  }
0xe6: {  	s1 =	rddreg [dreg:$0x1];
	p0 =	sne.s32 s2, $0x0  }
0xe7: {  	s3 =	rddreg [dreg:$0x2];
	[bflag:$0x3] =	sbarrier.arrive $0xFFFF;
	s2 =	simm.s32 @!p0 $0x1C04  }
0xe8: {  	[timem:s3], [sflag:s2] =	dma.local @!p0 [hbm:s0], s1  }
0xe9: {  	s0 =	simm.s32 @!p0 $0x4  }
0xea: {  	_ =	swait.ge @!p0 [sflag:s0], s1  }
0xeb: {  	s1 =	ssub.s32 @!p0 $0x0, s1;
	[sflag:s0] =	ssyncset.done @!p0 $0x0  }
0xec: {  	[sflag:s0] =	ssyncadd.s32 @!p0 s1  }
0xed: {  	[bflag:$0x3] =	sbarrier.arrive $0xFFFF  }
0xee: {  	_ =	shalt  }

</sc_bundles>
